<compile_context>
chip_gen: v7x
topology: tpu7x:2x2x1
jax: 0.10.2.dev20260603
libtpu: 0.0.44.dev20260713+nightly
codegen_flags: <defaults>
</compile_context>

<pallas_src>
import functools

import jax
import jax.numpy as jnp
from jax import lax
from jax.experimental import pallas as pl
from jax.experimental.pallas import tpu as pltpu
from jax.experimental.pallas import tpu_sc as plsc

EMBED_DIM = 64
NUM_CLS = 16
SEQ = 200
CHUNKS = ((0, 200),)
LANES = 16
NQ = EMBED_DIM // LANES


@functools.cache
def _sc_pool(batch):
  info = plsc.get_sparse_core_info()
  num_workers = info.num_cores * info.num_subcores
  bpw = batch // num_workers
  nbuf = 4
  mesh = plsc.VectorSubcoreMesh(core_axis_name="c", subcore_axis_name="s")

  @functools.partial(
      pl.kernel,
      out_type=jax.ShapeDtypeStruct((batch, EMBED_DIM), jnp.float32),
      mesh=mesh,
      scratch_types=[
          pltpu.VMEM((bpw, SEQ), jnp.int32),
          pltpu.VMEM((nbuf, SEQ, EMBED_DIM), jnp.float32),
          pltpu.VMEM((bpw, EMBED_DIM), jnp.float32),
          pltpu.SemaphoreType.DMA,
      ],
      compiler_params=pltpu.CompilerParams(use_tc_tiling_on_sc=False),
  )
  def sc_pool(ids_hbm, emb_hbm, out_hbm, idx_v, rows_v, pooled_v, sem):
    wid = lax.axis_index("s") * info.num_cores + lax.axis_index("c")
    base = wid * bpw
    pltpu.sync_copy(ids_hbm.at[pl.ds(base, bpw)], idx_v)

    def row_dmas(row, buf):
      return [
          pltpu.make_async_copy(
              emb_hbm.at[idx_v.at[row, pl.ds(off, sz)]],
              rows_v.at[buf, pl.ds(off, sz)],
              sem,
          )
          for off, sz in CHUNKS
      ]

    def fire(row, buf):
      for dma in row_dmas(row, buf):
        dma.start()

    def drain_reduce(row, buf):
      for dma in row_dmas(row, buf):
        dma.wait()
      zero = jnp.zeros((LANES,), jnp.float32)

      def body(r, acc):
        return tuple(
            acc[q] + rows_v[buf, r, pl.ds(q * LANES, LANES)]
            for q in range(NQ)
        )

      acc = lax.fori_loop(0, SEQ, body, (zero,) * NQ, unroll=4)
      for q in range(NQ):
        pooled_v[row, pl.ds(q * LANES, LANES)] = acc[q] * (1.0 / SEQ)

    for i in range(nbuf - 1):
      fire(i, i)

    def outer(g, carry):
      for b in range(nbuf):
        row = g * nbuf + b

        @pl.when(row + nbuf - 1 < bpw)
        def _():
          fire(row + nbuf - 1, (b + nbuf - 1) % nbuf)

        drain_reduce(row, b)
      return carry

    lax.fori_loop(0, bpw // nbuf, outer, 0)
    pltpu.sync_copy(pooled_v, out_hbm.at[pl.ds(base, bpw)])

  return sc_pool


def _tc_head(pooled, w_t, bias):
  def body(p_ref, w_ref, b_ref, o_ref):
    o_ref[...] = (
        jnp.dot(p_ref[...], w_ref[...], preferred_element_type=jnp.float32)
        + b_ref[...]
    )

  return pl.pallas_call(
      body,
      out_shape=jax.ShapeDtypeStruct((pooled.shape[0], NUM_CLS), jnp.float32),
  )(pooled, w_t, bias)


def kernel(text_ids, length, emb, W, b):
  del length
  pooled = _sc_pool(text_ids.shape[0])(text_ids, emb)
  return _tc_head(pooled, W.T, b.reshape(1, NUM_CLS))

# --- scband reference (transcript-rebuilt; emitter-appended) ---
"""Pipeline reference for scband-word-average-23983097381301 (READ-ONLY COPY).

The authoritative reference and input builder live on the scoring server;
editing this copy changes nothing except your own understanding.
"""

import jax, jax.numpy as jnp
import numpy as np

VOCAB = 1000000
EMBED_DIM = 64
NUM_CLS = 16
PADDING_IDX = 0
BATCH = 4096
SEQ = 200


def setup_inputs(seed: int = 0) -> dict:
    key = jax.random.key(seed)
    k1, k2, k3, k4, k5 = jax.random.split(key, 5)
    text_ids = jax.random.randint(k1, (BATCH, SEQ), 0, VOCAB, dtype=jnp.int64 if jax.config.jax_enable_x64 else jnp.int32)
    length = jax.random.randint(k2, (BATCH,), 0, SEQ, dtype=jnp.int64 if jax.config.jax_enable_x64 else jnp.int32)
    emb = jax.random.normal(k3, (VOCAB, EMBED_DIM), dtype=jnp.float32)
    # padding_idx row is zeroed (nn.Embedding with padding_idx)
    emb = emb.at[PADDING_IDX].set(0.0)
    W = jax.random.normal(k4, (NUM_CLS, EMBED_DIM), dtype=jnp.float32) * (1.0 / np.sqrt(EMBED_DIM))
    b = jax.random.normal(k5, (NUM_CLS,), dtype=jnp.float32) * 0.01
    return {"text_ids": text_ids, "length": length, "emb": emb, "W": W, "b": b}


def reference(text_ids, length, emb, W, b):
    # embedding lookup: gather rows from table (SparseCore gather)
    embeded = jnp.take(emb, text_ids, axis=0)  # [B, L, D]
    # F.avg_pool2d over (L, 1) window == mean over sequence dim, then squeeze
    pooled = jnp.mean(embeded, axis=1)  # [B, D]
    # fc
    out = pooled @ W.T + b  # [B, num_cls]
    return out

if __name__ == "__main__":
    import jax
    _d = setup_inputs()
    print(jax.jit(kernel)(*tuple(_d.values())))

</pallas_src>

<mosaic_0001>
#map = affine_map<(d0, d1) -> (0, 0)>
module attributes {stable_mosaic.version = 14 : i64} {
  func.func @sc_pool(%arg0: i32, %arg1: i32, %arg2: memref<4096x200xi32, #tpu.memory_space<hbm>>, %arg3: memref<1000000x64xf32, #tpu.memory_space<hbm>>, %arg4: memref<4096x64xf32, #tpu.memory_space<hbm>>, %arg5: memref<128x200xi32, #tpu.memory_space<vmem>>, %arg6: memref<4x200x64xf32, #tpu.memory_space<vmem>>, %arg7: memref<128x64xf32, #tpu.memory_space<vmem>>, %arg8: memref<!tpu.dma_semaphore, #tpu.memory_space<semaphore_mem>>) attributes {dimension_semantics = [#tpu.dimension_semantics<core_parallel>, #tpu.dimension_semantics<subcore_parallel>], iteration_bounds = array<i64: 2, 16>, scalar_prefetch = 0 : i64, scratch_operands = 4 : i64, tpu.core_type = #tpu.core_type<sc_vector_subcore>, window_params = [{transform_indices = #map}, {transform_indices = #map}, {transform_indices = #map}]} {
    %mul3A = arith.constant 2 : i32
    %mul3A_0 = arith.muli %arg1, %mul3A : i32
    %add3A = arith.addi %mul3A_0, %arg0 : i32
    %mul3A_1 = arith.constant 128 : i32
    %mul3A_2 = arith.muli %add3A, %mul3A_1 : i32
    "tpu.region"() ({
      %run_scoped3A = tpu.sem_alloc : memref<!tpu.dma_semaphore, #tpu.memory_space<semaphore_mem>>
      %dma_start3A_43 = arith.constant 0 : i32
      %dma_start3A_44 = tpu.memref_slice %arg2[%mul3A_2, %dma_start3A_43] : memref<4096x200xi32, #tpu.memory_space<hbm>> -> memref<128x200xi32, #tpu.memory_space<hbm>>
      %dma_start3A_45 = arith.constant 0 : i32
      %dma_start3A_46 = tpu.memref_slice %arg2[%mul3A_2, %dma_start3A_45] : memref<4096x200xi32, #tpu.memory_space<hbm>> -> memref<128x200xi32, #tpu.memory_space<hbm>>
      tpu.enqueue_dma source(%dma_start3A_46 : memref<128x200xi32, #tpu.memory_space<hbm>>) target(%arg5 : memref<128x200xi32, #tpu.memory_space<vmem>>) target_semaphore(%run_scoped3A : memref<!tpu.dma_semaphore, #tpu.memory_space<semaphore_mem>>)
      %dma_wait3A = arith.constant 0 : i32
      %dma_wait3A_47 = tpu.memref_slice %arg2[%mul3A_2, %dma_wait3A] : memref<4096x200xi32, #tpu.memory_space<hbm>> -> memref<128x200xi32, #tpu.memory_space<hbm>>
      %dma_wait3A_48 = arith.constant 0 : i32
      %dma_wait3A_49 = tpu.memref_slice %arg2[%mul3A_2, %dma_wait3A_48] : memref<4096x200xi32, #tpu.memory_space<hbm>> -> memref<128x200xi32, #tpu.memory_space<hbm>>
      tpu.wait_dma2 semaphore(%run_scoped3A : memref<!tpu.dma_semaphore, #tpu.memory_space<semaphore_mem>>) src(%dma_wait3A_49 : memref<128x200xi32, #tpu.memory_space<hbm>>) dst(%arg5 : memref<128x200xi32, #tpu.memory_space<vmem>>)
      tpu.yield
    }) : () -> ()
    %dma_start3A = arith.constant 0 : i32
    %dma_start3A_3 = arith.constant 0 : i32
    %dma_start3A_4 = arith.constant 0 : i32
    %dma_start3A_5 = arith.constant 0 : i32
    %dma_start3A_6 = tpu.memref_slice %arg6[%dma_start3A_3, %dma_start3A_4, %dma_start3A_5] : memref<4x200x64xf32, #tpu.memory_space<vmem>> -> memref<1x200x64xf32, #tpu.memory_space<vmem>>
    %dma_start3A_7 = tpu.memref_squeeze %dma_start3A_6 : memref<1x200x64xf32, #tpu.memory_space<vmem>> -> memref<200x64xf32, #tpu.memory_space<vmem>>
    %dma_start3A_8 = arith.constant 0 : i32
    %dma_start3A_9 = tpu.memref_slice %arg5[%dma_start3A, %dma_start3A_8] : memref<128x200xi32, #tpu.memory_space<vmem>> -> memref<1x200xi32, #tpu.memory_space<vmem>>
    %dma_start3A_10 = tpu.memref_squeeze %dma_start3A_9 : memref<1x200xi32, #tpu.memory_space<vmem>> -> memref<200xi32, #tpu.memory_space<vmem>>
    %dma_start3A_11 = arith.constant 0 : i32
    %dma_start3A_12 = arith.constant 0 : i32
    %dma_start3A_13 = tpu.memref_slice %arg3[%dma_start3A_11, %dma_start3A_12] : memref<1000000x64xf32, #tpu.memory_space<hbm>> -> memref<1000000x64xf32, #tpu.memory_space<hbm>>
    tpu.enqueue_indirect_dma source(%dma_start3A_13 : memref<1000000x64xf32, #tpu.memory_space<hbm>>) target(%dma_start3A_7 : memref<200x64xf32, #tpu.memory_space<vmem>>) offsets(%dma_start3A_10 : memref<200xi32, #tpu.memory_space<vmem>>) semaphore(%arg8 : memref<!tpu.dma_semaphore, #tpu.memory_space<semaphore_mem>>)
    %dma_start3A_14 = arith.constant 1 : i32
    %dma_start3A_15 = arith.constant 1 : i32
    %dma_start3A_16 = arith.constant 0 : i32
    %dma_start3A_17 = arith.constant 0 : i32
    %dma_start3A_18 = tpu.memref_slice %arg6[%dma_start3A_15, %dma_start3A_16, %dma_start3A_17] : memref<4x200x64xf32, #tpu.memory_space<vmem>> -> memref<1x200x64xf32, #tpu.memory_space<vmem>>
    %dma_start3A_19 = tpu.memref_squeeze %dma_start3A_18 : memref<1x200x64xf32, #tpu.memory_space<vmem>> -> memref<200x64xf32, #tpu.memory_space<vmem>>
    %dma_start3A_20 = arith.constant 0 : i32
    %dma_start3A_21 = tpu.memref_slice %arg5[%dma_start3A_14, %dma_start3A_20] : memref<128x200xi32, #tpu.memory_space<vmem>> -> memref<1x200xi32, #tpu.memory_space<vmem>>
    %dma_start3A_22 = tpu.memref_squeeze %dma_start3A_21 : memref<1x200xi32, #tpu.memory_space<vmem>> -> memref<200xi32, #tpu.memory_space<vmem>>
    %dma_start3A_23 = arith.constant 0 : i32
    %dma_start3A_24 = arith.constant 0 : i32
    %dma_start3A_25 = tpu.memref_slice %arg3[%dma_start3A_23, %dma_start3A_24] : memref<1000000x64xf32, #tpu.memory_space<hbm>> -> memref<1000000x64xf32, #tpu.memory_space<hbm>>
    tpu.enqueue_indirect_dma source(%dma_start3A_25 : memref<1000000x64xf32, #tpu.memory_space<hbm>>) target(%dma_start3A_19 : memref<200x64xf32, #tpu.memory_space<vmem>>) offsets(%dma_start3A_22 : memref<200xi32, #tpu.memory_space<vmem>>) semaphore(%arg8 : memref<!tpu.dma_semaphore, #tpu.memory_space<semaphore_mem>>)
    %dma_start3A_26 = arith.constant 2 : i32
    %dma_start3A_27 = arith.constant 2 : i32
    %dma_start3A_28 = arith.constant 0 : i32
    %dma_start3A_29 = arith.constant 0 : i32
    %dma_start3A_30 = tpu.memref_slice %arg6[%dma_start3A_27, %dma_start3A_28, %dma_start3A_29] : memref<4x200x64xf32, #tpu.memory_space<vmem>> -> memref<1x200x64xf32, #tpu.memory_space<vmem>>
    %dma_start3A_31 = tpu.memref_squeeze %dma_start3A_30 : memref<1x200x64xf32, #tpu.memory_space<vmem>> -> memref<200x64xf32, #tpu.memory_space<vmem>>
    %dma_start3A_32 = arith.constant 0 : i32
    %dma_start3A_33 = tpu.memref_slice %arg5[%dma_start3A_26, %dma_start3A_32] : memref<128x200xi32, #tpu.memory_space<vmem>> -> memref<1x200xi32, #tpu.memory_space<vmem>>
    %dma_start3A_34 = tpu.memref_squeeze %dma_start3A_33 : memref<1x200xi32, #tpu.memory_space<vmem>> -> memref<200xi32, #tpu.memory_space<vmem>>
    %dma_start3A_35 = arith.constant 0 : i32
    %dma_start3A_36 = arith.constant 0 : i32
    %dma_start3A_37 = tpu.memref_slice %arg3[%dma_start3A_35, %dma_start3A_36] : memref<1000000x64xf32, #tpu.memory_space<hbm>> -> memref<1000000x64xf32, #tpu.memory_space<hbm>>
    tpu.enqueue_indirect_dma source(%dma_start3A_37 : memref<1000000x64xf32, #tpu.memory_space<hbm>>) target(%dma_start3A_31 : memref<200x64xf32, #tpu.memory_space<vmem>>) offsets(%dma_start3A_34 : memref<200xi32, #tpu.memory_space<vmem>>) semaphore(%arg8 : memref<!tpu.dma_semaphore, #tpu.memory_space<semaphore_mem>>)
    %scan3A = arith.constant 0 : i32
    %scan3A_38 = arith.constant 0 : i32
    %scan3A_39 = arith.constant 32 : i32
    %scan3A_40 = arith.addi %scan3A_38, %scan3A_39 : i32
    %scan3A_41 = arith.constant 1 : i32
    scf.for %scan3A_43 = %scan3A_38 to %scan3A_40 step %scan3A_41  : i32 {
      %mul3A_44 = arith.constant 4 : i32
      %mul3A_45 = arith.muli %scan3A_43, %mul3A_44 : i32
      %add3A_46 = arith.constant 0 : i32
      %add3A_47 = arith.addi %mul3A_45, %add3A_46 : i32
      %add3A_48 = arith.constant 4 : i32
      %add3A_49 = arith.addi %add3A_47, %add3A_48 : i32
      %sub3A = arith.constant 1 : i32
      %sub3A_50 = arith.subi %add3A_49, %sub3A : i32
      %lt3A = arith.constant 128 : i32
      %lt3A_51 = arith.cmpi slt, %sub3A_50, %lt3A : i32
      %convert_element_type3A = arith.extui %lt3A_51 : i1 to i32
      %cond3A = arith.constant 0 : i32
      %cond3A_52 = arith.cmpi ne, %convert_element_type3A, %cond3A : i32
      scf.if %cond3A_52 {
        %add3A_293 = arith.constant 4 : i32
        %add3A_294 = arith.addi %add3A_47, %add3A_293 : i32
        %sub3A_295 = arith.constant 1 : i32
        %sub3A_296 = arith.subi %add3A_294, %sub3A_295 : i32
        %dma_start3A_297 = arith.constant 3 : i32
        %dma_start3A_298 = arith.constant 0 : i32
        %dma_start3A_299 = arith.constant 0 : i32
        %dma_start3A_300 = tpu.memref_slice %arg6[%dma_start3A_297, %dma_start3A_298, %dma_start3A_299] : memref<4x200x64xf32, #tpu.memory_space<vmem>> -> memref<1x200x64xf32, #tpu.memory_space<vmem>>
        %dma_start3A_301 = tpu.memref_squeeze %dma_start3A_300 : memref<1x200x64xf32, #tpu.memory_space<vmem>> -> memref<200x64xf32, #tpu.memory_space<vmem>>
        %dma_start3A_302 = arith.constant 0 : i32
        %dma_start3A_303 = tpu.memref_slice %arg5[%sub3A_296, %dma_start3A_302] : memref<128x200xi32, #tpu.memory_space<vmem>> -> memref<1x200xi32, #tpu.memory_space<vmem>>
        %dma_start3A_304 = tpu.memref_squeeze %dma_start3A_303 : memref<1x200xi32, #tpu.memory_space<vmem>> -> memref<200xi32, #tpu.memory_space<vmem>>
        %dma_start3A_305 = arith.constant 0 : i32
        %dma_start3A_306 = arith.constant 0 : i32
        %dma_start3A_307 = tpu.memref_slice %arg3[%dma_start3A_305, %dma_start3A_306] : memref<1000000x64xf32, #tpu.memory_space<hbm>> -> memref<1000000x64xf32, #tpu.memory_space<hbm>>
        tpu.enqueue_indirect_dma source(%dma_start3A_307 : memref<1000000x64xf32, #tpu.memory_space<hbm>>) target(%dma_start3A_301 : memref<200x64xf32, #tpu.memory_space<vmem>>) offsets(%dma_start3A_304 : memref<200xi32, #tpu.memory_space<vmem>>) semaphore(%arg8 : memref<!tpu.dma_semaphore, #tpu.memory_space<semaphore_mem>>)
      } else {
      }
      %dma_wait3A = arith.constant 0 : i32
      %dma_wait3A_53 = arith.constant 0 : i32
      %dma_wait3A_54 = arith.constant 0 : i32
      %dma_wait3A_55 = tpu.memref_slice %arg6[%dma_wait3A, %dma_wait3A_53, %dma_wait3A_54] : memref<4x200x64xf32, #tpu.memory_space<vmem>> -> memref<1x200x64xf32, #tpu.memory_space<vmem>>
      %dma_wait3A_56 = tpu.memref_squeeze %dma_wait3A_55 : memref<1x200x64xf32, #tpu.memory_space<vmem>> -> memref<200x64xf32, #tpu.memory_space<vmem>>
      %dma_wait3A_57 = arith.constant 0 : i32
      %dma_wait3A_58 = tpu.memref_slice %arg5[%add3A_47, %dma_wait3A_57] : memref<128x200xi32, #tpu.memory_space<vmem>> -> memref<1x200xi32, #tpu.memory_space<vmem>>
      %dma_wait3A_59 = tpu.memref_squeeze %dma_wait3A_58 : memref<1x200xi32, #tpu.memory_space<vmem>> -> memref<200xi32, #tpu.memory_space<vmem>>
      %dma_wait3A_60 = arith.constant 0 : i32
      %dma_wait3A_61 = arith.constant 0 : i32
      %dma_wait3A_62 = tpu.memref_slice %arg3[%dma_wait3A_60, %dma_wait3A_61] : memref<1000000x64xf32, #tpu.memory_space<hbm>> -> memref<1000000x64xf32, #tpu.memory_space<hbm>>
      tpu.wait_indirect_dma semaphore(%arg8 : memref<!tpu.dma_semaphore, #tpu.memory_space<semaphore_mem>>) src(%dma_wait3A_62 : memref<1000000x64xf32, #tpu.memory_space<hbm>>) dst(%dma_wait3A_56 : memref<200x64xf32, #tpu.memory_space<vmem>>)
      %broadcast_in_dim3A = arith.constant 0.000000e+00 : f32
      %broadcast_in_dim3A_63 = vector.broadcast %broadcast_in_dim3A : f32 to vector<16xf32>
      %scan3A_64 = arith.constant 0 : i32
      %scan3A_65 = arith.constant 200 : i32
      %scan3A_66 = arith.addi %scan3A_64, %scan3A_65 : i32
      %scan3A_67 = arith.constant 4 : i32
      %scan3A_68:4 = scf.for %scan3A_293 = %scan3A_64 to %scan3A_66 step %scan3A_67 iter_args(%scan3A_294 = %broadcast_in_dim3A_63, %scan3A_295 = %broadcast_in_dim3A_63, %scan3A_296 = %broadcast_in_dim3A_63, %scan3A_297 = %broadcast_in_dim3A_63) -> (vector<16xf32>, vector<16xf32>, vector<16xf32>, vector<16xf32>)  : i32 {
        %get3A = arith.constant 0 : i32
        %get3A_298 = arith.index_cast %get3A : i32 to index
        %get3A_299 = arith.index_cast %scan3A_293 : i32 to index
        %get3A_300 = arith.constant 0 : index
        %get3A_301 = tpu.vector_load %arg6[%get3A_298, %get3A_299, %get3A_300] {strides = array<i32>} : memref<4x200x64xf32, #tpu.memory_space<vmem>>, vector<1x1x16xf32>,
        %get3A_302 = vector.shape_cast %get3A_301 : vector<1x1x16xf32> to vector<16xf32>
        %add3A_303 = arith.addf %scan3A_294, %get3A_302 : vector<16xf32>
        %get3A_304 = arith.constant 0 : i32
        %get3A_305 = arith.index_cast %get3A_304 : i32 to index
        %get3A_306 = arith.index_cast %scan3A_293 : i32 to index
        %get3A_307 = arith.constant 16 : index
        %get3A_308 = tpu.vector_load %arg6[%get3A_305, %get3A_306, %get3A_307] {strides = array<i32>} : memref<4x200x64xf32, #tpu.memory_space<vmem>>, vector<1x1x16xf32>,
        %get3A_309 = vector.shape_cast %get3A_308 : vector<1x1x16xf32> to vector<16xf32>
        %add3A_310 = arith.addf %scan3A_295, %get3A_309 : vector<16xf32>
        %get3A_311 = arith.constant 0 : i32
        %get3A_312 = arith.index_cast %get3A_311 : i32 to index
        %get3A_313 = arith.index_cast %scan3A_293 : i32 to index
        %get3A_314 = arith.constant 32 : index
        %get3A_315 = tpu.vector_load %arg6[%get3A_312, %get3A_313, %get3A_314] {strides = array<i32>} : memref<4x200x64xf32, #tpu.memory_space<vmem>>, vector<1x1x16xf32>,
        %get3A_316 = vector.shape_cast %get3A_315 : vector<1x1x16xf32> to vector<16xf32>
        %add3A_317 = arith.addf %scan3A_296, %get3A_316 : vector<16xf32>
        %get3A_318 = arith.constant 0 : i32
        %get3A_319 = arith.index_cast %get3A_318 : i32 to index
        %get3A_320 = arith.index_cast %scan3A_293 : i32 to index
        %get3A_321 = arith.constant 48 : index
        %get3A_322 = tpu.vector_load %arg6[%get3A_319, %get3A_320, %get3A_321] {strides = array<i32>} : memref<4x200x64xf32, #tpu.memory_space<vmem>>, vector<1x1x16xf32>,
        %get3A_323 = vector.shape_cast %get3A_322 : vector<1x1x16xf32> to vector<16xf32>
        %add3A_324 = arith.addf %scan3A_297, %get3A_323 : vector<16xf32>
        %scan3A_325 = arith.constant 1 : i32
        %scan3A_326 = arith.addi %scan3A_293, %scan3A_325 : i32
        %get3A_327 = arith.constant 0 : i32
        %get3A_328 = arith.index_cast %get3A_327 : i32 to index
        %get3A_329 = arith.index_cast %scan3A_326 : i32 to index
        %get3A_330 = arith.constant 0 : index
        %get3A_331 = tpu.vector_load %arg6[%get3A_328, %get3A_329, %get3A_330] {strides = array<i32>} : memref<4x200x64xf32, #tpu.memory_space<vmem>>, vector<1x1x16xf32>,
        %get3A_332 = vector.shape_cast %get3A_331 : vector<1x1x16xf32> to vector<16xf32>
        %add3A_333 = arith.addf %add3A_303, %get3A_332 : vector<16xf32>
        %get3A_334 = arith.constant 0 : i32
        %get3A_335 = arith.index_cast %get3A_334 : i32 to index
        %get3A_336 = arith.index_cast %scan3A_326 : i32 to index
        %get3A_337 = arith.constant 16 : index
        %get3A_338 = tpu.vector_load %arg6[%get3A_335, %get3A_336, %get3A_337] {strides = array<i32>} : memref<4x200x64xf32, #tpu.memory_space<vmem>>, vector<1x1x16xf32>,
        %get3A_339 = vector.shape_cast %get3A_338 : vector<1x1x16xf32> to vector<16xf32>
        %add3A_340 = arith.addf %add3A_310, %get3A_339 : vector<16xf32>
        %get3A_341 = arith.constant 0 : i32
        %get3A_342 = arith.index_cast %get3A_341 : i32 to index
        %get3A_343 = arith.index_cast %scan3A_326 : i32 to index
        %get3A_344 = arith.constant 32 : index
        %get3A_345 = tpu.vector_load %arg6[%get3A_342, %get3A_343, %get3A_344] {strides = array<i32>} : memref<4x200x64xf32, #tpu.memory_space<vmem>>, vector<1x1x16xf32>,
        %get3A_346 = vector.shape_cast %get3A_345 : vector<1x1x16xf32> to vector<16xf32>
        %add3A_347 = arith.addf %add3A_317, %get3A_346 : vector<16xf32>
        %get3A_348 = arith.constant 0 : i32
        %get3A_349 = arith.index_cast %get3A_348 : i32 to index
        %get3A_350 = arith.index_cast %scan3A_326 : i32 to index
        %get3A_351 = arith.constant 48 : index
        %get3A_352 = tpu.vector_load %arg6[%get3A_349, %get3A_350, %get3A_351] {strides = array<i32>} : memref<4x200x64xf32, #tpu.memory_space<vmem>>, vector<1x1x16xf32>,
        %get3A_353 = vector.shape_cast %get3A_352 : vector<1x1x16xf32> to vector<16xf32>
        %add3A_354 = arith.addf %add3A_324, %get3A_353 : vector<16xf32>
        %scan3A_355 = arith.constant 2 : i32
        %scan3A_356 = arith.addi %scan3A_293, %scan3A_355 : i32
        %get3A_357 = arith.constant 0 : i32
        %get3A_358 = arith.index_cast %get3A_357 : i32 to index
        %get3A_359 = arith.index_cast %scan3A_356 : i32 to index
        %get3A_360 = arith.constant 0 : index
        %get3A_361 = tpu.vector_load %arg6[%get3A_358, %get3A_359, %get3A_360] {strides = array<i32>} : memref<4x200x64xf32, #tpu.memory_space<vmem>>, vector<1x1x16xf32>,
        %get3A_362 = vector.shape_cast %get3A_361 : vector<1x1x16xf32> to vector<16xf32>
        %add3A_363 = arith.addf %add3A_333, %get3A_362 : vector<16xf32>
        %get3A_364 = arith.constant 0 : i32
        %get3A_365 = arith.index_cast %get3A_364 : i32 to index
        %get3A_366 = arith.index_cast %scan3A_356 : i32 to index
        %get3A_367 = arith.constant 16 : index
        %get3A_368 = tpu.vector_load %arg6[%get3A_365, %get3A_366, %get3A_367] {strides = array<i32>} : memref<4x200x64xf32, #tpu.memory_space<vmem>>, vector<1x1x16xf32>,
        %get3A_369 = vector.shape_cast %get3A_368 : vector<1x1x16xf32> to vector<16xf32>
        %add3A_370 = arith.addf %add3A_340, %get3A_369 : vector<16xf32>
        %get3A_371 = arith.constant 0 : i32
        %get3A_372 = arith.index_cast %get3A_371 : i32 to index
        %get3A_373 = arith.index_cast %scan3A_356 : i32 to index
        %get3A_374 = arith.constant 32 : index
        %get3A_375 = tpu.vector_load %arg6[%get3A_372, %get3A_373, %get3A_374] {strides = array<i32>} : memref<4x200x64xf32, #tpu.memory_space<vmem>>, vector<1x1x16xf32>,
        %get3A_376 = vector.shape_cast %get3A_375 : vector<1x1x16xf32> to vector<16xf32>
        %add3A_377 = arith.addf %add3A_347, %get3A_376 : vector<16xf32>
        %get3A_378 = arith.constant 0 : i32
        %get3A_379 = arith.index_cast %get3A_378 : i32 to index
        %get3A_380 = arith.index_cast %scan3A_356 : i32 to index
        %get3A_381 = arith.constant 48 : index
        %get3A_382 = tpu.vector_load %arg6[%get3A_379, %get3A_380, %get3A_381] {strides = array<i32>} : memref<4x200x64xf32, #tpu.memory_space<vmem>>, vector<1x1x16xf32>,
        %get3A_383 = vector.shape_cast %get3A_382 : vector<1x1x16xf32> to vector<16xf32>
        %add3A_384 = arith.addf %add3A_354, %get3A_383 : vector<16xf32>
        %scan3A_385 = arith.constant 3 : i32
        %scan3A_386 = arith.addi %scan3A_293, %scan3A_385 : i32
        %get3A_387 = arith.constant 0 : i32
        %get3A_388 = arith.index_cast %get3A_387 : i32 to index
        %get3A_389 = arith.index_cast %scan3A_386 : i32 to index
        %get3A_390 = arith.constant 0 : index
        %get3A_391 = tpu.vector_load %arg6[%get3A_388, %get3A_389, %get3A_390] {strides = array<i32>} : memref<4x200x64xf32, #tpu.memory_space<vmem>>, vector<1x1x16xf32>,
        %get3A_392 = vector.shape_cast %get3A_391 : vector<1x1x16xf32> to vector<16xf32>
        %add3A_393 = arith.addf %add3A_363, %get3A_392 : vector<16xf32>
        %get3A_394 = arith.constant 0 : i32
        %get3A_395 = arith.index_cast %get3A_394 : i32 to index
        %get3A_396 = arith.index_cast %scan3A_386 : i32 to index
        %get3A_397 = arith.constant 16 : index
        %get3A_398 = tpu.vector_load %arg6[%get3A_395, %get3A_396, %get3A_397] {strides = array<i32>} : memref<4x200x64xf32, #tpu.memory_space<vmem>>, vector<1x1x16xf32>,
        %get3A_399 = vector.shape_cast %get3A_398 : vector<1x1x16xf32> to vector<16xf32>
        %add3A_400 = arith.addf %add3A_370, %get3A_399 : vector<16xf32>
        %get3A_401 = arith.constant 0 : i32
        %get3A_402 = arith.index_cast %get3A_401 : i32 to index
        %get3A_403 = arith.index_cast %scan3A_386 : i32 to index
        %get3A_404 = arith.constant 32 : index
        %get3A_405 = tpu.vector_load %arg6[%get3A_402, %get3A_403, %get3A_404] {strides = array<i32>} : memref<4x200x64xf32, #tpu.memory_space<vmem>>, vector<1x1x16xf32>,
        %get3A_406 = vector.shape_cast %get3A_405 : vector<1x1x16xf32> to vector<16xf32>
        %add3A_407 = arith.addf %add3A_377, %get3A_406 : vector<16xf32>
        %get3A_408 = arith.constant 0 : i32
        %get3A_409 = arith.index_cast %get3A_408 : i32 to index
        %get3A_410 = arith.index_cast %scan3A_386 : i32 to index
        %get3A_411 = arith.constant 48 : index
        %get3A_412 = tpu.vector_load %arg6[%get3A_409, %get3A_410, %get3A_411] {strides = array<i32>} : memref<4x200x64xf32, #tpu.memory_space<vmem>>, vector<1x1x16xf32>,
        %get3A_413 = vector.shape_cast %get3A_412 : vector<1x1x16xf32> to vector<16xf32>
        %add3A_414 = arith.addf %add3A_384, %get3A_413 : vector<16xf32>
        scf.yield %add3A_393, %add3A_400, %add3A_407, %add3A_414 : vector<16xf32>, vector<16xf32>, vector<16xf32>, vector<16xf32>
      }
      %scan3A_69 = arith.constant 200 : i32
      %mul3A_70 = arith.constant 5.000000e-03 : f32
      %mul3A_71 = vector.broadcast %mul3A_70 : f32 to vector<16xf32>
      %mul3A_72 = arith.mulf %scan3A_68#0, %mul3A_71 : vector<16xf32>
      %swap3A = arith.index_cast %add3A_47 : i32 to index
      %swap3A_73 = arith.constant 0 : index
      %swap3A_74 = tpu.vector_load %arg7[%swap3A, %swap3A_73] {strides = array<i32>} : memref<128x64xf32, #tpu.memory_space<vmem>>, vector<1x16xf32>,
      %swap3A_75 = vector.shape_cast %swap3A_74 : vector<1x16xf32> to vector<16xf32>
      %swap3A_76 = vector.shape_cast %mul3A_72 : vector<16xf32> to vector<1x16xf32>
      tpu.vector_store %arg7[%swap3A, %swap3A_73], %swap3A_76 {strides = array<i32>} : memref<128x64xf32, #tpu.memory_space<vmem>>, vector<1x16xf32>,
      %mul3A_77 = arith.constant 5.000000e-03 : f32
      %mul3A_78 = vector.broadcast %mul3A_77 : f32 to vector<16xf32>
      %mul3A_79 = arith.mulf %scan3A_68#1, %mul3A_78 : vector<16xf32>
      %swap3A_80 = arith.index_cast %add3A_47 : i32 to index
      %swap3A_81 = arith.constant 16 : index
      %swap3A_82 = tpu.vector_load %arg7[%swap3A_80, %swap3A_81] {strides = array<i32>} : memref<128x64xf32, #tpu.memory_space<vmem>>, vector<1x16xf32>,
      %swap3A_83 = vector.shape_cast %swap3A_82 : vector<1x16xf32> to vector<16xf32>
      %swap3A_84 = vector.shape_cast %mul3A_79 : vector<16xf32> to vector<1x16xf32>
      tpu.vector_store %arg7[%swap3A_80, %swap3A_81], %swap3A_84 {strides = array<i32>} : memref<128x64xf32, #tpu.memory_space<vmem>>, vector<1x16xf32>,
      %mul3A_85 = arith.constant 5.000000e-03 : f32
      %mul3A_86 = vector.broadcast %mul3A_85 : f32 to vector<16xf32>
      %mul3A_87 = arith.mulf %scan3A_68#2, %mul3A_86 : vector<16xf32>
      %swap3A_88 = arith.index_cast %add3A_47 : i32 to index
      %swap3A_89 = arith.constant 32 : index
      %swap3A_90 = tpu.vector_load %arg7[%swap3A_88, %swap3A_89] {strides = array<i32>} : memref<128x64xf32, #tpu.memory_space<vmem>>, vector<1x16xf32>,
      %swap3A_91 = vector.shape_cast %swap3A_90 : vector<1x16xf32> to vector<16xf32>
      %swap3A_92 = vector.shape_cast %mul3A_87 : vector<16xf32> to vector<1x16xf32>
      tpu.vector_store %arg7[%swap3A_88, %swap3A_89], %swap3A_92 {strides = array<i32>} : memref<128x64xf32, #tpu.memory_space<vmem>>, vector<1x16xf32>,
      %mul3A_93 = arith.constant 5.000000e-03 : f32
      %mul3A_94 = vector.broadcast %mul3A_93 : f32 to vector<16xf32>
      %mul3A_95 = arith.mulf %scan3A_68#3, %mul3A_94 : vector<16xf32>
      %swap3A_96 = arith.index_cast %add3A_47 : i32 to index
      %swap3A_97 = arith.constant 48 : index
      %swap3A_98 = tpu.vector_load %arg7[%swap3A_96, %swap3A_97] {strides = array<i32>} : memref<128x64xf32, #tpu.memory_space<vmem>>, vector<1x16xf32>,
      %swap3A_99 = vector.shape_cast %swap3A_98 : vector<1x16xf32> to vector<16xf32>
      %swap3A_100 = vector.shape_cast %mul3A_95 : vector<16xf32> to vector<1x16xf32>
      tpu.vector_store %arg7[%swap3A_96, %swap3A_97], %swap3A_100 {strides = array<i32>} : memref<128x64xf32, #tpu.memory_space<vmem>>, vector<1x16xf32>,
      %mul3A_101 = arith.constant 4 : i32
      %mul3A_102 = arith.muli %scan3A_43, %mul3A_101 : i32
      %add3A_103 = arith.constant 1 : i32
      %add3A_104 = arith.addi %mul3A_102, %add3A_103 : i32
      %add3A_105 = arith.constant 4 : i32
      %add3A_106 = arith.addi %add3A_104, %add3A_105 : i32
      %sub3A_107 = arith.constant 1 : i32
      %sub3A_108 = arith.subi %add3A_106, %sub3A_107 : i32
      %lt3A_109 = arith.constant 128 : i32
      %lt3A_110 = arith.cmpi slt, %sub3A_108, %lt3A_109 : i32
      %convert_element_type3A_111 = arith.extui %lt3A_110 : i1 to i32
      %cond3A_112 = arith.constant 0 : i32
      %cond3A_113 = arith.cmpi ne, %convert_element_type3A_111, %cond3A_112 : i32
      scf.if %cond3A_113 {
        %add3A_293 = arith.constant 4 : i32
        %add3A_294 = arith.addi %add3A_104, %add3A_293 : i32
        %sub3A_295 = arith.constant 1 : i32
        %sub3A_296 = arith.subi %add3A_294, %sub3A_295 : i32
        %dma_start3A_297 = arith.constant 0 : i32
        %dma_start3A_298 = arith.constant 0 : i32
        %dma_start3A_299 = arith.constant 0 : i32
        %dma_start3A_300 = tpu.memref_slice %arg6[%dma_start3A_297, %dma_start3A_298, %dma_start3A_299] : memref<4x200x64xf32, #tpu.memory_space<vmem>> -> memref<1x200x64xf32, #tpu.memory_space<vmem>>
        %dma_start3A_301 = tpu.memref_squeeze %dma_start3A_300 : memref<1x200x64xf32, #tpu.memory_space<vmem>> -> memref<200x64xf32, #tpu.memory_space<vmem>>
        %dma_start3A_302 = arith.constant 0 : i32
        %dma_start3A_303 = tpu.memref_slice %arg5[%sub3A_296, %dma_start3A_302] : memref<128x200xi32, #tpu.memory_space<vmem>> -> memref<1x200xi32, #tpu.memory_space<vmem>>
        %dma_start3A_304 = tpu.memref_squeeze %dma_start3A_303 : memref<1x200xi32, #tpu.memory_space<vmem>> -> memref<200xi32, #tpu.memory_space<vmem>>
        %dma_start3A_305 = arith.constant 0 : i32
        %dma_start3A_306 = arith.constant 0 : i32
        %dma_start3A_307 = tpu.memref_slice %arg3[%dma_start3A_305, %dma_start3A_306] : memref<1000000x64xf32, #tpu.memory_space<hbm>> -> memref<1000000x64xf32, #tpu.memory_space<hbm>>
        tpu.enqueue_indirect_dma source(%dma_start3A_307 : memref<1000000x64xf32, #tpu.memory_space<hbm>>) target(%dma_start3A_301 : memref<200x64xf32, #tpu.memory_space<vmem>>) offsets(%dma_start3A_304 : memref<200xi32, #tpu.memory_space<vmem>>) semaphore(%arg8 : memref<!tpu.dma_semaphore, #tpu.memory_space<semaphore_mem>>)
      } else {
      }
      %dma_wait3A_114 = arith.constant 1 : i32
      %dma_wait3A_115 = arith.constant 0 : i32
      %dma_wait3A_116 = arith.constant 0 : i32
      %dma_wait3A_117 = tpu.memref_slice %arg6[%dma_wait3A_114, %dma_wait3A_115, %dma_wait3A_116] : memref<4x200x64xf32, #tpu.memory_space<vmem>> -> memref<1x200x64xf32, #tpu.memory_space<vmem>>
      %dma_wait3A_118 = tpu.memref_squeeze %dma_wait3A_117 : memref<1x200x64xf32, #tpu.memory_space<vmem>> -> memref<200x64xf32, #tpu.memory_space<vmem>>
      %dma_wait3A_119 = arith.constant 0 : i32
      %dma_wait3A_120 = tpu.memref_slice %arg5[%add3A_104, %dma_wait3A_119] : memref<128x200xi32, #tpu.memory_space<vmem>> -> memref<1x200xi32, #tpu.memory_space<vmem>>
      %dma_wait3A_121 = tpu.memref_squeeze %dma_wait3A_120 : memref<1x200xi32, #tpu.memory_space<vmem>> -> memref<200xi32, #tpu.memory_space<vmem>>
      %dma_wait3A_122 = arith.constant 0 : i32
      %dma_wait3A_123 = arith.constant 0 : i32
      %dma_wait3A_124 = tpu.memref_slice %arg3[%dma_wait3A_122, %dma_wait3A_123] : memref<1000000x64xf32, #tpu.memory_space<hbm>> -> memref<1000000x64xf32, #tpu.memory_space<hbm>>
      tpu.wait_indirect_dma semaphore(%arg8 : memref<!tpu.dma_semaphore, #tpu.memory_space<semaphore_mem>>) src(%dma_wait3A_124 : memref<1000000x64xf32, #tpu.memory_space<hbm>>) dst(%dma_wait3A_118 : memref<200x64xf32, #tpu.memory_space<vmem>>)
      %broadcast_in_dim3A_125 = arith.constant 0.000000e+00 : f32
      %broadcast_in_dim3A_126 = vector.broadcast %broadcast_in_dim3A_125 : f32 to vector<16xf32>
      %scan3A_127 = arith.constant 0 : i32
      %scan3A_128 = arith.constant 200 : i32
      %scan3A_129 = arith.addi %scan3A_127, %scan3A_128 : i32
      %scan3A_130 = arith.constant 4 : i32
      %scan3A_131:4 = scf.for %scan3A_293 = %scan3A_127 to %scan3A_129 step %scan3A_130 iter_args(%scan3A_294 = %broadcast_in_dim3A_126, %scan3A_295 = %broadcast_in_dim3A_126, %scan3A_296 = %broadcast_in_dim3A_126, %scan3A_297 = %broadcast_in_dim3A_126) -> (vector<16xf32>, vector<16xf32>, vector<16xf32>, vector<16xf32>)  : i32 {
        %get3A = arith.constant 1 : i32
        %get3A_298 = arith.index_cast %get3A : i32 to index
        %get3A_299 = arith.index_cast %scan3A_293 : i32 to index
        %get3A_300 = arith.constant 0 : index
        %get3A_301 = tpu.vector_load %arg6[%get3A_298, %get3A_299, %get3A_300] {strides = array<i32>} : memref<4x200x64xf32, #tpu.memory_space<vmem>>, vector<1x1x16xf32>,
        %get3A_302 = vector.shape_cast %get3A_301 : vector<1x1x16xf32> to vector<16xf32>
        %add3A_303 = arith.addf %scan3A_294, %get3A_302 : vector<16xf32>
        %get3A_304 = arith.constant 1 : i32
        %get3A_305 = arith.index_cast %get3A_304 : i32 to index
        %get3A_306 = arith.index_cast %scan3A_293 : i32 to index
        %get3A_307 = arith.constant 16 : index
        %get3A_308 = tpu.vector_load %arg6[%get3A_305, %get3A_306, %get3A_307] {strides = array<i32>} : memref<4x200x64xf32, #tpu.memory_space<vmem>>, vector<1x1x16xf32>,
        %get3A_309 = vector.shape_cast %get3A_308 : vector<1x1x16xf32> to vector<16xf32>
        %add3A_310 = arith.addf %scan3A_295, %get3A_309 : vector<16xf32>
        %get3A_311 = arith.constant 1 : i32
        %get3A_312 = arith.index_cast %get3A_311 : i32 to index
        %get3A_313 = arith.index_cast %scan3A_293 : i32 to index
        %get3A_314 = arith.constant 32 : index
        %get3A_315 = tpu.vector_load %arg6[%get3A_312, %get3A_313, %get3A_314] {strides = array<i32>} : memref<4x200x64xf32, #tpu.memory_space<vmem>>, vector<1x1x16xf32>,
        %get3A_316 = vector.shape_cast %get3A_315 : vector<1x1x16xf32> to vector<16xf32>
        %add3A_317 = arith.addf %scan3A_296, %get3A_316 : vector<16xf32>
        %get3A_318 = arith.constant 1 : i32
        %get3A_319 = arith.index_cast %get3A_318 : i32 to index
        %get3A_320 = arith.index_cast %scan3A_293 : i32 to index
        %get3A_321 = arith.constant 48 : index
        %get3A_322 = tpu.vector_load %arg6[%get3A_319, %get3A_320, %get3A_321] {strides = array<i32>} : memref<4x200x64xf32, #tpu.memory_space<vmem>>, vector<1x1x16xf32>,
        %get3A_323 = vector.shape_cast %get3A_322 : vector<1x1x16xf32> to vector<16xf32>
        %add3A_324 = arith.addf %scan3A_297, %get3A_323 : vector<16xf32>
        %scan3A_325 = arith.constant 1 : i32
        %scan3A_326 = arith.addi %scan3A_293, %scan3A_325 : i32
        %get3A_327 = arith.constant 1 : i32
        %get3A_328 = arith.index_cast %get3A_327 : i32 to index
        %get3A_329 = arith.index_cast %scan3A_326 : i32 to index
        %get3A_330 = arith.constant 0 : index
        %get3A_331 = tpu.vector_load %arg6[%get3A_328, %get3A_329, %get3A_330] {strides = array<i32>} : memref<4x200x64xf32, #tpu.memory_space<vmem>>, vector<1x1x16xf32>,
        %get3A_332 = vector.shape_cast %get3A_331 : vector<1x1x16xf32> to vector<16xf32>
        %add3A_333 = arith.addf %add3A_303, %get3A_332 : vector<16xf32>
        %get3A_334 = arith.constant 1 : i32
        %get3A_335 = arith.index_cast %get3A_334 : i32 to index
        %get3A_336 = arith.index_cast %scan3A_326 : i32 to index
        %get3A_337 = arith.constant 16 : index
        %get3A_338 = tpu.vector_load %arg6[%get3A_335, %get3A_336, %get3A_337] {strides = array<i32>} : memref<4x200x64xf32, #tpu.memory_space<vmem>>, vector<1x1x16xf32>,
        %get3A_339 = vector.shape_cast %get3A_338 : vector<1x1x16xf32> to vector<16xf32>
        %add3A_340 = arith.addf %add3A_310, %get3A_339 : vector<16xf32>
        %get3A_341 = arith.constant 1 : i32
        %get3A_342 = arith.index_cast %get3A_341 : i32 to index
        %get3A_343 = arith.index_cast %scan3A_326 : i32 to index
        %get3A_344 = arith.constant 32 : index
        %get3A_345 = tpu.vector_load %arg6[%get3A_342, %get3A_343, %get3A_344] {strides = array<i32>} : memref<4x200x64xf32, #tpu.memory_space<vmem>>, vector<1x1x16xf32>,
        %get3A_346 = vector.shape_cast %get3A_345 : vector<1x1x16xf32> to vector<16xf32>
        %add3A_347 = arith.addf %add3A_317, %get3A_346 : vector<16xf32>
        %get3A_348 = arith.constant 1 : i32
        %get3A_349 = arith.index_cast %get3A_348 : i32 to index
        %get3A_350 = arith.index_cast %scan3A_326 : i32 to index
        %get3A_351 = arith.constant 48 : index
        %get3A_352 = tpu.vector_load %arg6[%get3A_349, %get3A_350, %get3A_351] {strides = array<i32>} : memref<4x200x64xf32, #tpu.memory_space<vmem>>, vector<1x1x16xf32>,
        %get3A_353 = vector.shape_cast %get3A_352 : vector<1x1x16xf32> to vector<16xf32>
        %add3A_354 = arith.addf %add3A_324, %get3A_353 : vector<16xf32>
        %scan3A_355 = arith.constant 2 : i32
        %scan3A_356 = arith.addi %scan3A_293, %scan3A_355 : i32
        %get3A_357 = arith.constant 1 : i32
        %get3A_358 = arith.index_cast %get3A_357 : i32 to index
        %get3A_359 = arith.index_cast %scan3A_356 : i32 to index
        %get3A_360 = arith.constant 0 : index
        %get3A_361 = tpu.vector_load %arg6[%get3A_358, %get3A_359, %get3A_360] {strides = array<i32>} : memref<4x200x64xf32, #tpu.memory_space<vmem>>, vector<1x1x16xf32>,
        %get3A_362 = vector.shape_cast %get3A_361 : vector<1x1x16xf32> to vector<16xf32>
        %add3A_363 = arith.addf %add3A_333, %get3A_362 : vector<16xf32>
        %get3A_364 = arith.constant 1 : i32
        %get3A_365 = arith.index_cast %get3A_364 : i32 to index
        %get3A_366 = arith.index_cast %scan3A_356 : i32 to index
        %get3A_367 = arith.constant 16 : index
        %get3A_368 = tpu.vector_load %arg6[%get3A_365, %get3A_366, %get3A_367] {strides = array<i32>} : memref<4x200x64xf32, #tpu.memory_space<vmem>>, vector<1x1x16xf32>,
        %get3A_369 = vector.shape_cast %get3A_368 : vector<1x1x16xf32> to vector<16xf32>
        %add3A_370 = arith.addf %add3A_340, %get3A_369 : vector<16xf32>
        %get3A_371 = arith.constant 1 : i32
        %get3A_372 = arith.index_cast %get3A_371 : i32 to index
        %get3A_373 = arith.index_cast %scan3A_356 : i32 to index
        %get3A_374 = arith.constant 32 : index
        %get3A_375 = tpu.vector_load %arg6[%get3A_372, %get3A_373, %get3A_374] {strides = array<i32>} : memref<4x200x64xf32, #tpu.memory_space<vmem>>, vector<1x1x16xf32>,
        %get3A_376 = vector.shape_cast %get3A_375 : vector<1x1x16xf32> to vector<16xf32>
        %add3A_377 = arith.addf %add3A_347, %get3A_376 : vector<16xf32>
        %get3A_378 = arith.constant 1 : i32
        %get3A_379 = arith.index_cast %get3A_378 : i32 to index
        %get3A_380 = arith.index_cast %scan3A_356 : i32 to index
        %get3A_381 = arith.constant 48 : index
        %get3A_382 = tpu.vector_load %arg6[%get3A_379, %get3A_380, %get3A_381] {strides = array<i32>} : memref<4x200x64xf32, #tpu.memory_space<vmem>>, vector<1x1x16xf32>,
        %get3A_383 = vector.shape_cast %get3A_382 : vector<1x1x16xf32> to vector<16xf32>
        %add3A_384 = arith.addf %add3A_354, %get3A_383 : vector<16xf32>
        %scan3A_385 = arith.constant 3 : i32
        %scan3A_386 = arith.addi %scan3A_293, %scan3A_385 : i32
        %get3A_387 = arith.constant 1 : i32
        %get3A_388 = arith.index_cast %get3A_387 : i32 to index
        %get3A_389 = arith.index_cast %scan3A_386 : i32 to index
        %get3A_390 = arith.constant 0 : index
        %get3A_391 = tpu.vector_load %arg6[%get3A_388, %get3A_389, %get3A_390] {strides = array<i32>} : memref<4x200x64xf32, #tpu.memory_space<vmem>>, vector<1x1x16xf32>,
        %get3A_392 = vector.shape_cast %get3A_391 : vector<1x1x16xf32> to vector<16xf32>
        %add3A_393 = arith.addf %add3A_363, %get3A_392 : vector<16xf32>
        %get3A_394 = arith.constant 1 : i32
        %get3A_395 = arith.index_cast %get3A_394 : i32 to index
        %get3A_396 = arith.index_cast %scan3A_386 : i32 to index
        %get3A_397 = arith.constant 16 : index
        %get3A_398 = tpu.vector_load %arg6[%get3A_395, %get3A_396, %get3A_397] {strides = array<i32>} : memref<4x200x64xf32, #tpu.memory_space<vmem>>, vector<1x1x16xf32>,
        %get3A_399 = vector.shape_cast %get3A_398 : vector<1x1x16xf32> to vector<16xf32>
        %add3A_400 = arith.addf %add3A_370, %get3A_399 : vector<16xf32>
        %get3A_401 = arith.constant 1 : i32
        %get3A_402 = arith.index_cast %get3A_401 : i32 to index
        %get3A_403 = arith.index_cast %scan3A_386 : i32 to index
        %get3A_404 = arith.constant 32 : index
        %get3A_405 = tpu.vector_load %arg6[%get3A_402, %get3A_403, %get3A_404] {strides = array<i32>} : memref<4x200x64xf32, #tpu.memory_space<vmem>>, vector<1x1x16xf32>,
        %get3A_406 = vector.shape_cast %get3A_405 : vector<1x1x16xf32> to vector<16xf32>
        %add3A_407 = arith.addf %add3A_377, %get3A_406 : vector<16xf32>
        %get3A_408 = arith.constant 1 : i32
        %get3A_409 = arith.index_cast %get3A_408 : i32 to index
        %get3A_410 = arith.index_cast %scan3A_386 : i32 to index
        %get3A_411 = arith.constant 48 : index
        %get3A_412 = tpu.vector_load %arg6[%get3A_409, %get3A_410, %get3A_411] {strides = array<i32>} : memref<4x200x64xf32, #tpu.memory_space<vmem>>, vector<1x1x16xf32>,
        %get3A_413 = vector.shape_cast %get3A_412 : vector<1x1x16xf32> to vector<16xf32>
        %add3A_414 = arith.addf %add3A_384, %get3A_413 : vector<16xf32>
        scf.yield %add3A_393, %add3A_400, %add3A_407, %add3A_414 : vector<16xf32>, vector<16xf32>, vector<16xf32>, vector<16xf32>
      }
      %scan3A_132 = arith.constant 200 : i32
      %mul3A_133 = arith.constant 5.000000e-03 : f32
      %mul3A_134 = vector.broadcast %mul3A_133 : f32 to vector<16xf32>
      %mul3A_135 = arith.mulf %scan3A_131#0, %mul3A_134 : vector<16xf32>
      %swap3A_136 = arith.index_cast %add3A_104 : i32 to index
      %swap3A_137 = arith.constant 0 : index
      %swap3A_138 = tpu.vector_load %arg7[%swap3A_136, %swap3A_137] {strides = array<i32>} : memref<128x64xf32, #tpu.memory_space<vmem>>, vector<1x16xf32>,
      %swap3A_139 = vector.shape_cast %swap3A_138 : vector<1x16xf32> to vector<16xf32>
      %swap3A_140 = vector.shape_cast %mul3A_135 : vector<16xf32> to vector<1x16xf32>
      tpu.vector_store %arg7[%swap3A_136, %swap3A_137], %swap3A_140 {strides = array<i32>} : memref<128x64xf32, #tpu.memory_space<vmem>>, vector<1x16xf32>,
      %mul3A_141 = arith.constant 5.000000e-03 : f32
      %mul3A_142 = vector.broadcast %mul3A_141 : f32 to vector<16xf32>
      %mul3A_143 = arith.mulf %scan3A_131#1, %mul3A_142 : vector<16xf32>
      %swap3A_144 = arith.index_cast %add3A_104 : i32 to index
      %swap3A_145 = arith.constant 16 : index
      %swap3A_146 = tpu.vector_load %arg7[%swap3A_144, %swap3A_145] {strides = array<i32>} : memref<128x64xf32, #tpu.memory_space<vmem>>, vector<1x16xf32>,
      %swap3A_147 = vector.shape_cast %swap3A_146 : vector<1x16xf32> to vector<16xf32>
      %swap3A_148 = vector.shape_cast %mul3A_143 : vector<16xf32> to vector<1x16xf32>
      tpu.vector_store %arg7[%swap3A_144, %swap3A_145], %swap3A_148 {strides = array<i32>} : memref<128x64xf32, #tpu.memory_space<vmem>>, vector<1x16xf32>,
      %mul3A_149 = arith.constant 5.000000e-03 : f32
      %mul3A_150 = vector.broadcast %mul3A_149 : f32 to vector<16xf32>
      %mul3A_151 = arith.mulf %scan3A_131#2, %mul3A_150 : vector<16xf32>
      %swap3A_152 = arith.index_cast %add3A_104 : i32 to index
      %swap3A_153 = arith.constant 32 : index
      %swap3A_154 = tpu.vector_load %arg7[%swap3A_152, %swap3A_153] {strides = array<i32>} : memref<128x64xf32, #tpu.memory_space<vmem>>, vector<1x16xf32>,
      %swap3A_155 = vector.shape_cast %swap3A_154 : vector<1x16xf32> to vector<16xf32>
      %swap3A_156 = vector.shape_cast %mul3A_151 : vector<16xf32> to vector<1x16xf32>
      tpu.vector_store %arg7[%swap3A_152, %swap3A_153], %swap3A_156 {strides = array<i32>} : memref<128x64xf32, #tpu.memory_space<vmem>>, vector<1x16xf32>,
      %mul3A_157 = arith.constant 5.000000e-03 : f32
      %mul3A_158 = vector.broadcast %mul3A_157 : f32 to vector<16xf32>
      %mul3A_159 = arith.mulf %scan3A_131#3, %mul3A_158 : vector<16xf32>
      %swap3A_160 = arith.index_cast %add3A_104 : i32 to index
      %swap3A_161 = arith.constant 48 : index
      %swap3A_162 = tpu.vector_load %arg7[%swap3A_160, %swap3A_161] {strides = array<i32>} : memref<128x64xf32, #tpu.memory_space<vmem>>, vector<1x16xf32>,
      %swap3A_163 = vector.shape_cast %swap3A_162 : vector<1x16xf32> to vector<16xf32>
      %swap3A_164 = vector.shape_cast %mul3A_159 : vector<16xf32> to vector<1x16xf32>
      tpu.vector_store %arg7[%swap3A_160, %swap3A_161], %swap3A_164 {strides = array<i32>} : memref<128x64xf32, #tpu.memory_space<vmem>>, vector<1x16xf32>,
      %mul3A_165 = arith.constant 4 : i32
      %mul3A_166 = arith.muli %scan3A_43, %mul3A_165 : i32
      %add3A_167 = arith.constant 2 : i32
      %add3A_168 = arith.addi %mul3A_166, %add3A_167 : i32
      %add3A_169 = arith.constant 4 : i32
      %add3A_170 = arith.addi %add3A_168, %add3A_169 : i32
      %sub3A_171 = arith.constant 1 : i32
      %sub3A_172 = arith.subi %add3A_170, %sub3A_171 : i32
      %lt3A_173 = arith.constant 128 : i32
      %lt3A_174 = arith.cmpi slt, %sub3A_172, %lt3A_173 : i32
      %convert_element_type3A_175 = arith.extui %lt3A_174 : i1 to i32
      %cond3A_176 = arith.constant 0 : i32
      %cond3A_177 = arith.cmpi ne, %convert_element_type3A_175, %cond3A_176 : i32
      scf.if %cond3A_177 {
        %add3A_293 = arith.constant 4 : i32
        %add3A_294 = arith.addi %add3A_168, %add3A_293 : i32
        %sub3A_295 = arith.constant 1 : i32
        %sub3A_296 = arith.subi %add3A_294, %sub3A_295 : i32
        %dma_start3A_297 = arith.constant 1 : i32
        %dma_start3A_298 = arith.constant 0 : i32
        %dma_start3A_299 = arith.constant 0 : i32
        %dma_start3A_300 = tpu.memref_slice %arg6[%dma_start3A_297, %dma_start3A_298, %dma_start3A_299] : memref<4x200x64xf32, #tpu.memory_space<vmem>> -> memref<1x200x64xf32, #tpu.memory_space<vmem>>
        %dma_start3A_301 = tpu.memref_squeeze %dma_start3A_300 : memref<1x200x64xf32, #tpu.memory_space<vmem>> -> memref<200x64xf32, #tpu.memory_space<vmem>>
        %dma_start3A_302 = arith.constant 0 : i32
        %dma_start3A_303 = tpu.memref_slice %arg5[%sub3A_296, %dma_start3A_302] : memref<128x200xi32, #tpu.memory_space<vmem>> -> memref<1x200xi32, #tpu.memory_space<vmem>>
        %dma_start3A_304 = tpu.memref_squeeze %dma_start3A_303 : memref<1x200xi32, #tpu.memory_space<vmem>> -> memref<200xi32, #tpu.memory_space<vmem>>
        %dma_start3A_305 = arith.constant 0 : i32
        %dma_start3A_306 = arith.constant 0 : i32
        %dma_start3A_307 = tpu.memref_slice %arg3[%dma_start3A_305, %dma_start3A_306] : memref<1000000x64xf32, #tpu.memory_space<hbm>> -> memref<1000000x64xf32, #tpu.memory_space<hbm>>
        tpu.enqueue_indirect_dma source(%dma_start3A_307 : memref<1000000x64xf32, #tpu.memory_space<hbm>>) target(%dma_start3A_301 : memref<200x64xf32, #tpu.memory_space<vmem>>) offsets(%dma_start3A_304 : memref<200xi32, #tpu.memory_space<vmem>>) semaphore(%arg8 : memref<!tpu.dma_semaphore, #tpu.memory_space<semaphore_mem>>)
      } else {
      }
      %dma_wait3A_178 = arith.constant 2 : i32
      %dma_wait3A_179 = arith.constant 0 : i32
      %dma_wait3A_180 = arith.constant 0 : i32
      %dma_wait3A_181 = tpu.memref_slice %arg6[%dma_wait3A_178, %dma_wait3A_179, %dma_wait3A_180] : memref<4x200x64xf32, #tpu.memory_space<vmem>> -> memref<1x200x64xf32, #tpu.memory_space<vmem>>
      %dma_wait3A_182 = tpu.memref_squeeze %dma_wait3A_181 : memref<1x200x64xf32, #tpu.memory_space<vmem>> -> memref<200x64xf32, #tpu.memory_space<vmem>>
      %dma_wait3A_183 = arith.constant 0 : i32
      %dma_wait3A_184 = tpu.memref_slice %arg5[%add3A_168, %dma_wait3A_183] : memref<128x200xi32, #tpu.memory_space<vmem>> -> memref<1x200xi32, #tpu.memory_space<vmem>>
      %dma_wait3A_185 = tpu.memref_squeeze %dma_wait3A_184 : memref<1x200xi32, #tpu.memory_space<vmem>> -> memref<200xi32, #tpu.memory_space<vmem>>
      %dma_wait3A_186 = arith.constant 0 : i32
      %dma_wait3A_187 = arith.constant 0 : i32
      %dma_wait3A_188 = tpu.memref_slice %arg3[%dma_wait3A_186, %dma_wait3A_187] : memref<1000000x64xf32, #tpu.memory_space<hbm>> -> memref<1000000x64xf32, #tpu.memory_space<hbm>>
      tpu.wait_indirect_dma semaphore(%arg8 : memref<!tpu.dma_semaphore, #tpu.memory_space<semaphore_mem>>) src(%dma_wait3A_188 : memref<1000000x64xf32, #tpu.memory_space<hbm>>) dst(%dma_wait3A_182 : memref<200x64xf32, #tpu.memory_space<vmem>>)
      %broadcast_in_dim3A_189 = arith.constant 0.000000e+00 : f32
      %broadcast_in_dim3A_190 = vector.broadcast %broadcast_in_dim3A_189 : f32 to vector<16xf32>
      %scan3A_191 = arith.constant 0 : i32
      %scan3A_192 = arith.constant 200 : i32
      %scan3A_193 = arith.addi %scan3A_191, %scan3A_192 : i32
      %scan3A_194 = arith.constant 4 : i32
      %scan3A_195:4 = scf.for %scan3A_293 = %scan3A_191 to %scan3A_193 step %scan3A_194 iter_args(%scan3A_294 = %broadcast_in_dim3A_190, %scan3A_295 = %broadcast_in_dim3A_190, %scan3A_296 = %broadcast_in_dim3A_190, %scan3A_297 = %broadcast_in_dim3A_190) -> (vector<16xf32>, vector<16xf32>, vector<16xf32>, vector<16xf32>)  : i32 {
        %get3A = arith.constant 2 : i32
        %get3A_298 = arith.index_cast %get3A : i32 to index
        %get3A_299 = arith.index_cast %scan3A_293 : i32 to index
        %get3A_300 = arith.constant 0 : index
        %get3A_301 = tpu.vector_load %arg6[%get3A_298, %get3A_299, %get3A_300] {strides = array<i32>} : memref<4x200x64xf32, #tpu.memory_space<vmem>>, vector<1x1x16xf32>,
        %get3A_302 = vector.shape_cast %get3A_301 : vector<1x1x16xf32> to vector<16xf32>
        %add3A_303 = arith.addf %scan3A_294, %get3A_302 : vector<16xf32>
        %get3A_304 = arith.constant 2 : i32
        %get3A_305 = arith.index_cast %get3A_304 : i32 to index
        %get3A_306 = arith.index_cast %scan3A_293 : i32 to index
        %get3A_307 = arith.constant 16 : index
        %get3A_308 = tpu.vector_load %arg6[%get3A_305, %get3A_306, %get3A_307] {strides = array<i32>} : memref<4x200x64xf32, #tpu.memory_space<vmem>>, vector<1x1x16xf32>,
        %get3A_309 = vector.shape_cast %get3A_308 : vector<1x1x16xf32> to vector<16xf32>
        %add3A_310 = arith.addf %scan3A_295, %get3A_309 : vector<16xf32>
        %get3A_311 = arith.constant 2 : i32
        %get3A_312 = arith.index_cast %get3A_311 : i32 to index
        %get3A_313 = arith.index_cast %scan3A_293 : i32 to index
        %get3A_314 = arith.constant 32 : index
        %get3A_315 = tpu.vector_load %arg6[%get3A_312, %get3A_313, %get3A_314] {strides = array<i32>} : memref<4x200x64xf32, #tpu.memory_space<vmem>>, vector<1x1x16xf32>,
        %get3A_316 = vector.shape_cast %get3A_315 : vector<1x1x16xf32> to vector<16xf32>
        %add3A_317 = arith.addf %scan3A_296, %get3A_316 : vector<16xf32>
        %get3A_318 = arith.constant 2 : i32
        %get3A_319 = arith.index_cast %get3A_318 : i32 to index
        %get3A_320 = arith.index_cast %scan3A_293 : i32 to index
        %get3A_321 = arith.constant 48 : index
        %get3A_322 = tpu.vector_load %arg6[%get3A_319, %get3A_320, %get3A_321] {strides = array<i32>} : memref<4x200x64xf32, #tpu.memory_space<vmem>>, vector<1x1x16xf32>,
        %get3A_323 = vector.shape_cast %get3A_322 : vector<1x1x16xf32> to vector<16xf32>
        %add3A_324 = arith.addf %scan3A_297, %get3A_323 : vector<16xf32>
        %scan3A_325 = arith.constant 1 : i32
        %scan3A_326 = arith.addi %scan3A_293, %scan3A_325 : i32
        %get3A_327 = arith.constant 2 : i32
        %get3A_328 = arith.index_cast %get3A_327 : i32 to index
        %get3A_329 = arith.index_cast %scan3A_326 : i32 to index
        %get3A_330 = arith.constant 0 : index
        %get3A_331 = tpu.vector_load %arg6[%get3A_328, %get3A_329, %get3A_330] {strides = array<i32>} : memref<4x200x64xf32, #tpu.memory_space<vmem>>, vector<1x1x16xf32>,
        %get3A_332 = vector.shape_cast %get3A_331 : vector<1x1x16xf32> to vector<16xf32>
        %add3A_333 = arith.addf %add3A_303, %get3A_332 : vector<16xf32>
        %get3A_334 = arith.constant 2 : i32
        %get3A_335 = arith.index_cast %get3A_334 : i32 to index
        %get3A_336 = arith.index_cast %scan3A_326 : i32 to index
        %get3A_337 = arith.constant 16 : index
        %get3A_338 = tpu.vector_load %arg6[%get3A_335, %get3A_336, %get3A_337] {strides = array<i32>} : memref<4x200x64xf32, #tpu.memory_space<vmem>>, vector<1x1x16xf32>,
        %get3A_339 = vector.shape_cast %get3A_338 : vector<1x1x16xf32> to vector<16xf32>
        %add3A_340 = arith.addf %add3A_310, %get3A_339 : vector<16xf32>
        %get3A_341 = arith.constant 2 : i32
        %get3A_342 = arith.index_cast %get3A_341 : i32 to index
        %get3A_343 = arith.index_cast %scan3A_326 : i32 to index
        %get3A_344 = arith.constant 32 : index
        %get3A_345 = tpu.vector_load %arg6[%get3A_342, %get3A_343, %get3A_344] {strides = array<i32>} : memref<4x200x64xf32, #tpu.memory_space<vmem>>, vector<1x1x16xf32>,
        %get3A_346 = vector.shape_cast %get3A_345 : vector<1x1x16xf32> to vector<16xf32>
        %add3A_347 = arith.addf %add3A_317, %get3A_346 : vector<16xf32>
        %get3A_348 = arith.constant 2 : i32
        %get3A_349 = arith.index_cast %get3A_348 : i32 to index
        %get3A_350 = arith.index_cast %scan3A_326 : i32 to index
        %get3A_351 = arith.constant 48 : index
        %get3A_352 = tpu.vector_load %arg6[%get3A_349, %get3A_350, %get3A_351] {strides = array<i32>} : memref<4x200x64xf32, #tpu.memory_space<vmem>>, vector<1x1x16xf32>,
        %get3A_353 = vector.shape_cast %get3A_352 : vector<1x1x16xf32> to vector<16xf32>
        %add3A_354 = arith.addf %add3A_324, %get3A_353 : vector<16xf32>
        %scan3A_355 = arith.constant 2 : i32
        %scan3A_356 = arith.addi %scan3A_293, %scan3A_355 : i32
        %get3A_357 = arith.constant 2 : i32
        %get3A_358 = arith.index_cast %get3A_357 : i32 to index
        %get3A_359 = arith.index_cast %scan3A_356 : i32 to index
        %get3A_360 = arith.constant 0 : index
        %get3A_361 = tpu.vector_load %arg6[%get3A_358, %get3A_359, %get3A_360] {strides = array<i32>} : memref<4x200x64xf32, #tpu.memory_space<vmem>>, vector<1x1x16xf32>,
        %get3A_362 = vector.shape_cast %get3A_361 : vector<1x1x16xf32> to vector<16xf32>
        %add3A_363 = arith.addf %add3A_333, %get3A_362 : vector<16xf32>
        %get3A_364 = arith.constant 2 : i32
        %get3A_365 = arith.index_cast %get3A_364 : i32 to index
        %get3A_366 = arith.index_cast %scan3A_356 : i32 to index
        %get3A_367 = arith.constant 16 : index
        %get3A_368 = tpu.vector_load %arg6[%get3A_365, %get3A_366, %get3A_367] {strides = array<i32>} : memref<4x200x64xf32, #tpu.memory_space<vmem>>, vector<1x1x16xf32>,
        %get3A_369 = vector.shape_cast %get3A_368 : vector<1x1x16xf32> to vector<16xf32>
        %add3A_370 = arith.addf %add3A_340, %get3A_369 : vector<16xf32>
        %get3A_371 = arith.constant 2 : i32
        %get3A_372 = arith.index_cast %get3A_371 : i32 to index
        %get3A_373 = arith.index_cast %scan3A_356 : i32 to index
        %get3A_374 = arith.constant 32 : index
        %get3A_375 = tpu.vector_load %arg6[%get3A_372, %get3A_373, %get3A_374] {strides = array<i32>} : memref<4x200x64xf32, #tpu.memory_space<vmem>>, vector<1x1x16xf32>,
        %get3A_376 = vector.shape_cast %get3A_375 : vector<1x1x16xf32> to vector<16xf32>
        %add3A_377 = arith.addf %add3A_347, %get3A_376 : vector<16xf32>
        %get3A_378 = arith.constant 2 : i32
        %get3A_379 = arith.index_cast %get3A_378 : i32 to index
        %get3A_380 = arith.index_cast %scan3A_356 : i32 to index
        %get3A_381 = arith.constant 48 : index
        %get3A_382 = tpu.vector_load %arg6[%get3A_379, %get3A_380, %get3A_381] {strides = array<i32>} : memref<4x200x64xf32, #tpu.memory_space<vmem>>, vector<1x1x16xf32>,
        %get3A_383 = vector.shape_cast %get3A_382 : vector<1x1x16xf32> to vector<16xf32>
        %add3A_384 = arith.addf %add3A_354, %get3A_383 : vector<16xf32>
        %scan3A_385 = arith.constant 3 : i32
        %scan3A_386 = arith.addi %scan3A_293, %scan3A_385 : i32
        %get3A_387 = arith.constant 2 : i32
        %get3A_388 = arith.index_cast %get3A_387 : i32 to index
        %get3A_389 = arith.index_cast %scan3A_386 : i32 to index
        %get3A_390 = arith.constant 0 : index
        %get3A_391 = tpu.vector_load %arg6[%get3A_388, %get3A_389, %get3A_390] {strides = array<i32>} : memref<4x200x64xf32, #tpu.memory_space<vmem>>, vector<1x1x16xf32>,
        %get3A_392 = vector.shape_cast %get3A_391 : vector<1x1x16xf32> to vector<16xf32>
        %add3A_393 = arith.addf %add3A_363, %get3A_392 : vector<16xf32>
        %get3A_394 = arith.constant 2 : i32
        %get3A_395 = arith.index_cast %get3A_394 : i32 to index
        %get3A_396 = arith.index_cast %scan3A_386 : i32 to index
        %get3A_397 = arith.constant 16 : index
        %get3A_398 = tpu.vector_load %arg6[%get3A_395, %get3A_396, %get3A_397] {strides = array<i32>} : memref<4x200x64xf32, #tpu.memory_space<vmem>>, vector<1x1x16xf32>,
        %get3A_399 = vector.shape_cast %get3A_398 : vector<1x1x16xf32> to vector<16xf32>
        %add3A_400 = arith.addf %add3A_370, %get3A_399 : vector<16xf32>
        %get3A_401 = arith.constant 2 : i32
        %get3A_402 = arith.index_cast %get3A_401 : i32 to index
        %get3A_403 = arith.index_cast %scan3A_386 : i32 to index
        %get3A_404 = arith.constant 32 : index
        %get3A_405 = tpu.vector_load %arg6[%get3A_402, %get3A_403, %get3A_404] {strides = array<i32>} : memref<4x200x64xf32, #tpu.memory_space<vmem>>, vector<1x1x16xf32>,
        %get3A_406 = vector.shape_cast %get3A_405 : vector<1x1x16xf32> to vector<16xf32>
        %add3A_407 = arith.addf %add3A_377, %get3A_406 : vector<16xf32>
        %get3A_408 = arith.constant 2 : i32
        %get3A_409 = arith.index_cast %get3A_408 : i32 to index
        %get3A_410 = arith.index_cast %scan3A_386 : i32 to index
        %get3A_411 = arith.constant 48 : index
        %get3A_412 = tpu.vector_load %arg6[%get3A_409, %get3A_410, %get3A_411] {strides = array<i32>} : memref<4x200x64xf32, #tpu.memory_space<vmem>>, vector<1x1x16xf32>,
        %get3A_413 = vector.shape_cast %get3A_412 : vector<1x1x16xf32> to vector<16xf32>
        %add3A_414 = arith.addf %add3A_384, %get3A_413 : vector<16xf32>
        scf.yield %add3A_393, %add3A_400, %add3A_407, %add3A_414 : vector<16xf32>, vector<16xf32>, vector<16xf32>, vector<16xf32>
      }
      %scan3A_196 = arith.constant 200 : i32
      %mul3A_197 = arith.constant 5.000000e-03 : f32
      %mul3A_198 = vector.broadcast %mul3A_197 : f32 to vector<16xf32>
      %mul3A_199 = arith.mulf %scan3A_195#0, %mul3A_198 : vector<16xf32>
      %swap3A_200 = arith.index_cast %add3A_168 : i32 to index
      %swap3A_201 = arith.constant 0 : index
      %swap3A_202 = tpu.vector_load %arg7[%swap3A_200, %swap3A_201] {strides = array<i32>} : memref<128x64xf32, #tpu.memory_space<vmem>>, vector<1x16xf32>,
      %swap3A_203 = vector.shape_cast %swap3A_202 : vector<1x16xf32> to vector<16xf32>
      %swap3A_204 = vector.shape_cast %mul3A_199 : vector<16xf32> to vector<1x16xf32>
      tpu.vector_store %arg7[%swap3A_200, %swap3A_201], %swap3A_204 {strides = array<i32>} : memref<128x64xf32, #tpu.memory_space<vmem>>, vector<1x16xf32>,
      %mul3A_205 = arith.constant 5.000000e-03 : f32
      %mul3A_206 = vector.broadcast %mul3A_205 : f32 to vector<16xf32>
      %mul3A_207 = arith.mulf %scan3A_195#1, %mul3A_206 : vector<16xf32>
      %swap3A_208 = arith.index_cast %add3A_168 : i32 to index
      %swap3A_209 = arith.constant 16 : index
      %swap3A_210 = tpu.vector_load %arg7[%swap3A_208, %swap3A_209] {strides = array<i32>} : memref<128x64xf32, #tpu.memory_space<vmem>>, vector<1x16xf32>,
      %swap3A_211 = vector.shape_cast %swap3A_210 : vector<1x16xf32> to vector<16xf32>
      %swap3A_212 = vector.shape_cast %mul3A_207 : vector<16xf32> to vector<1x16xf32>
      tpu.vector_store %arg7[%swap3A_208, %swap3A_209], %swap3A_212 {strides = array<i32>} : memref<128x64xf32, #tpu.memory_space<vmem>>, vector<1x16xf32>,
      %mul3A_213 = arith.constant 5.000000e-03 : f32
      %mul3A_214 = vector.broadcast %mul3A_213 : f32 to vector<16xf32>
      %mul3A_215 = arith.mulf %scan3A_195#2, %mul3A_214 : vector<16xf32>
      %swap3A_216 = arith.index_cast %add3A_168 : i32 to index
      %swap3A_217 = arith.constant 32 : index
      %swap3A_218 = tpu.vector_load %arg7[%swap3A_216, %swap3A_217] {strides = array<i32>} : memref<128x64xf32, #tpu.memory_space<vmem>>, vector<1x16xf32>,
      %swap3A_219 = vector.shape_cast %swap3A_218 : vector<1x16xf32> to vector<16xf32>
      %swap3A_220 = vector.shape_cast %mul3A_215 : vector<16xf32> to vector<1x16xf32>
      tpu.vector_store %arg7[%swap3A_216, %swap3A_217], %swap3A_220 {strides = array<i32>} : memref<128x64xf32, #tpu.memory_space<vmem>>, vector<1x16xf32>,
      %mul3A_221 = arith.constant 5.000000e-03 : f32
      %mul3A_222 = vector.broadcast %mul3A_221 : f32 to vector<16xf32>
      %mul3A_223 = arith.mulf %scan3A_195#3, %mul3A_222 : vector<16xf32>
      %swap3A_224 = arith.index_cast %add3A_168 : i32 to index
      %swap3A_225 = arith.constant 48 : index
      %swap3A_226 = tpu.vector_load %arg7[%swap3A_224, %swap3A_225] {strides = array<i32>} : memref<128x64xf32, #tpu.memory_space<vmem>>, vector<1x16xf32>,
      %swap3A_227 = vector.shape_cast %swap3A_226 : vector<1x16xf32> to vector<16xf32>
      %swap3A_228 = vector.shape_cast %mul3A_223 : vector<16xf32> to vector<1x16xf32>
      tpu.vector_store %arg7[%swap3A_224, %swap3A_225], %swap3A_228 {strides = array<i32>} : memref<128x64xf32, #tpu.memory_space<vmem>>, vector<1x16xf32>,
      %mul3A_229 = arith.constant 4 : i32
      %mul3A_230 = arith.muli %scan3A_43, %mul3A_229 : i32
      %add3A_231 = arith.constant 3 : i32
      %add3A_232 = arith.addi %mul3A_230, %add3A_231 : i32
      %add3A_233 = arith.constant 4 : i32
      %add3A_234 = arith.addi %add3A_232, %add3A_233 : i32
      %sub3A_235 = arith.constant 1 : i32
      %sub3A_236 = arith.subi %add3A_234, %sub3A_235 : i32
      %lt3A_237 = arith.constant 128 : i32
      %lt3A_238 = arith.cmpi slt, %sub3A_236, %lt3A_237 : i32
      %convert_element_type3A_239 = arith.extui %lt3A_238 : i1 to i32
      %cond3A_240 = arith.constant 0 : i32
      %cond3A_241 = arith.cmpi ne, %convert_element_type3A_239, %cond3A_240 : i32
      scf.if %cond3A_241 {
        %add3A_293 = arith.constant 4 : i32
        %add3A_294 = arith.addi %add3A_232, %add3A_293 : i32
        %sub3A_295 = arith.constant 1 : i32
        %sub3A_296 = arith.subi %add3A_294, %sub3A_295 : i32
        %dma_start3A_297 = arith.constant 2 : i32
        %dma_start3A_298 = arith.constant 0 : i32
        %dma_start3A_299 = arith.constant 0 : i32
        %dma_start3A_300 = tpu.memref_slice %arg6[%dma_start3A_297, %dma_start3A_298, %dma_start3A_299] : memref<4x200x64xf32, #tpu.memory_space<vmem>> -> memref<1x200x64xf32, #tpu.memory_space<vmem>>
        %dma_start3A_301 = tpu.memref_squeeze %dma_start3A_300 : memref<1x200x64xf32, #tpu.memory_space<vmem>> -> memref<200x64xf32, #tpu.memory_space<vmem>>
        %dma_start3A_302 = arith.constant 0 : i32
        %dma_start3A_303 = tpu.memref_slice %arg5[%sub3A_296, %dma_start3A_302] : memref<128x200xi32, #tpu.memory_space<vmem>> -> memref<1x200xi32, #tpu.memory_space<vmem>>
        %dma_start3A_304 = tpu.memref_squeeze %dma_start3A_303 : memref<1x200xi32, #tpu.memory_space<vmem>> -> memref<200xi32, #tpu.memory_space<vmem>>
        %dma_start3A_305 = arith.constant 0 : i32
        %dma_start3A_306 = arith.constant 0 : i32
        %dma_start3A_307 = tpu.memref_slice %arg3[%dma_start3A_305, %dma_start3A_306] : memref<1000000x64xf32, #tpu.memory_space<hbm>> -> memref<1000000x64xf32, #tpu.memory_space<hbm>>
        tpu.enqueue_indirect_dma source(%dma_start3A_307 : memref<1000000x64xf32, #tpu.memory_space<hbm>>) target(%dma_start3A_301 : memref<200x64xf32, #tpu.memory_space<vmem>>) offsets(%dma_start3A_304 : memref<200xi32, #tpu.memory_space<vmem>>) semaphore(%arg8 : memref<!tpu.dma_semaphore, #tpu.memory_space<semaphore_mem>>)
      } else {
      }
      %dma_wait3A_242 = arith.constant 3 : i32
      %dma_wait3A_243 = arith.constant 0 : i32
      %dma_wait3A_244 = arith.constant 0 : i32
      %dma_wait3A_245 = tpu.memref_slice %arg6[%dma_wait3A_242, %dma_wait3A_243, %dma_wait3A_244] : memref<4x200x64xf32, #tpu.memory_space<vmem>> -> memref<1x200x64xf32, #tpu.memory_space<vmem>>
      %dma_wait3A_246 = tpu.memref_squeeze %dma_wait3A_245 : memref<1x200x64xf32, #tpu.memory_space<vmem>> -> memref<200x64xf32, #tpu.memory_space<vmem>>
      %dma_wait3A_247 = arith.constant 0 : i32
      %dma_wait3A_248 = tpu.memref_slice %arg5[%add3A_232, %dma_wait3A_247] : memref<128x200xi32, #tpu.memory_space<vmem>> -> memref<1x200xi32, #tpu.memory_space<vmem>>
      %dma_wait3A_249 = tpu.memref_squeeze %dma_wait3A_248 : memref<1x200xi32, #tpu.memory_space<vmem>> -> memref<200xi32, #tpu.memory_space<vmem>>
      %dma_wait3A_250 = arith.constant 0 : i32
      %dma_wait3A_251 = arith.constant 0 : i32
      %dma_wait3A_252 = tpu.memref_slice %arg3[%dma_wait3A_250, %dma_wait3A_251] : memref<1000000x64xf32, #tpu.memory_space<hbm>> -> memref<1000000x64xf32, #tpu.memory_space<hbm>>
      tpu.wait_indirect_dma semaphore(%arg8 : memref<!tpu.dma_semaphore, #tpu.memory_space<semaphore_mem>>) src(%dma_wait3A_252 : memref<1000000x64xf32, #tpu.memory_space<hbm>>) dst(%dma_wait3A_246 : memref<200x64xf32, #tpu.memory_space<vmem>>)
      %broadcast_in_dim3A_253 = arith.constant 0.000000e+00 : f32
      %broadcast_in_dim3A_254 = vector.broadcast %broadcast_in_dim3A_253 : f32 to vector<16xf32>
      %scan3A_255 = arith.constant 0 : i32
      %scan3A_256 = arith.constant 200 : i32
      %scan3A_257 = arith.addi %scan3A_255, %scan3A_256 : i32
      %scan3A_258 = arith.constant 4 : i32
      %scan3A_259:4 = scf.for %scan3A_293 = %scan3A_255 to %scan3A_257 step %scan3A_258 iter_args(%scan3A_294 = %broadcast_in_dim3A_254, %scan3A_295 = %broadcast_in_dim3A_254, %scan3A_296 = %broadcast_in_dim3A_254, %scan3A_297 = %broadcast_in_dim3A_254) -> (vector<16xf32>, vector<16xf32>, vector<16xf32>, vector<16xf32>)  : i32 {
        %get3A = arith.constant 3 : i32
        %get3A_298 = arith.index_cast %get3A : i32 to index
        %get3A_299 = arith.index_cast %scan3A_293 : i32 to index
        %get3A_300 = arith.constant 0 : index
        %get3A_301 = tpu.vector_load %arg6[%get3A_298, %get3A_299, %get3A_300] {strides = array<i32>} : memref<4x200x64xf32, #tpu.memory_space<vmem>>, vector<1x1x16xf32>,
        %get3A_302 = vector.shape_cast %get3A_301 : vector<1x1x16xf32> to vector<16xf32>
        %add3A_303 = arith.addf %scan3A_294, %get3A_302 : vector<16xf32>
        %get3A_304 = arith.constant 3 : i32
        %get3A_305 = arith.index_cast %get3A_304 : i32 to index
        %get3A_306 = arith.index_cast %scan3A_293 : i32 to index
        %get3A_307 = arith.constant 16 : index
        %get3A_308 = tpu.vector_load %arg6[%get3A_305, %get3A_306, %get3A_307] {strides = array<i32>} : memref<4x200x64xf32, #tpu.memory_space<vmem>>, vector<1x1x16xf32>,
        %get3A_309 = vector.shape_cast %get3A_308 : vector<1x1x16xf32> to vector<16xf32>
        %add3A_310 = arith.addf %scan3A_295, %get3A_309 : vector<16xf32>
        %get3A_311 = arith.constant 3 : i32
        %get3A_312 = arith.index_cast %get3A_311 : i32 to index
        %get3A_313 = arith.index_cast %scan3A_293 : i32 to index
        %get3A_314 = arith.constant 32 : index
        %get3A_315 = tpu.vector_load %arg6[%get3A_312, %get3A_313, %get3A_314] {strides = array<i32>} : memref<4x200x64xf32, #tpu.memory_space<vmem>>, vector<1x1x16xf32>,
        %get3A_316 = vector.shape_cast %get3A_315 : vector<1x1x16xf32> to vector<16xf32>
        %add3A_317 = arith.addf %scan3A_296, %get3A_316 : vector<16xf32>
        %get3A_318 = arith.constant 3 : i32
        %get3A_319 = arith.index_cast %get3A_318 : i32 to index
        %get3A_320 = arith.index_cast %scan3A_293 : i32 to index
        %get3A_321 = arith.constant 48 : index
        %get3A_322 = tpu.vector_load %arg6[%get3A_319, %get3A_320, %get3A_321] {strides = array<i32>} : memref<4x200x64xf32, #tpu.memory_space<vmem>>, vector<1x1x16xf32>,
        %get3A_323 = vector.shape_cast %get3A_322 : vector<1x1x16xf32> to vector<16xf32>
        %add3A_324 = arith.addf %scan3A_297, %get3A_323 : vector<16xf32>
        %scan3A_325 = arith.constant 1 : i32
        %scan3A_326 = arith.addi %scan3A_293, %scan3A_325 : i32
        %get3A_327 = arith.constant 3 : i32
        %get3A_328 = arith.index_cast %get3A_327 : i32 to index
        %get3A_329 = arith.index_cast %scan3A_326 : i32 to index
        %get3A_330 = arith.constant 0 : index
        %get3A_331 = tpu.vector_load %arg6[%get3A_328, %get3A_329, %get3A_330] {strides = array<i32>} : memref<4x200x64xf32, #tpu.memory_space<vmem>>, vector<1x1x16xf32>,
        %get3A_332 = vector.shape_cast %get3A_331 : vector<1x1x16xf32> to vector<16xf32>
        %add3A_333 = arith.addf %add3A_303, %get3A_332 : vector<16xf32>
        %get3A_334 = arith.constant 3 : i32
        %get3A_335 = arith.index_cast %get3A_334 : i32 to index
        %get3A_336 = arith.index_cast %scan3A_326 : i32 to index
        %get3A_337 = arith.constant 16 : index
        %get3A_338 = tpu.vector_load %arg6[%get3A_335, %get3A_336, %get3A_337] {strides = array<i32>} : memref<4x200x64xf32, #tpu.memory_space<vmem>>, vector<1x1x16xf32>,
        %get3A_339 = vector.shape_cast %get3A_338 : vector<1x1x16xf32> to vector<16xf32>
        %add3A_340 = arith.addf %add3A_310, %get3A_339 : vector<16xf32>
        %get3A_341 = arith.constant 3 : i32
        %get3A_342 = arith.index_cast %get3A_341 : i32 to index
        %get3A_343 = arith.index_cast %scan3A_326 : i32 to index
        %get3A_344 = arith.constant 32 : index
        %get3A_345 = tpu.vector_load %arg6[%get3A_342, %get3A_343, %get3A_344] {strides = array<i32>} : memref<4x200x64xf32, #tpu.memory_space<vmem>>, vector<1x1x16xf32>,
        %get3A_346 = vector.shape_cast %get3A_345 : vector<1x1x16xf32> to vector<16xf32>
        %add3A_347 = arith.addf %add3A_317, %get3A_346 : vector<16xf32>
        %get3A_348 = arith.constant 3 : i32
        %get3A_349 = arith.index_cast %get3A_348 : i32 to index
        %get3A_350 = arith.index_cast %scan3A_326 : i32 to index
        %get3A_351 = arith.constant 48 : index
        %get3A_352 = tpu.vector_load %arg6[%get3A_349, %get3A_350, %get3A_351] {strides = array<i32>} : memref<4x200x64xf32, #tpu.memory_space<vmem>>, vector<1x1x16xf32>,
        %get3A_353 = vector.shape_cast %get3A_352 : vector<1x1x16xf32> to vector<16xf32>
        %add3A_354 = arith.addf %add3A_324, %get3A_353 : vector<16xf32>
        %scan3A_355 = arith.constant 2 : i32
        %scan3A_356 = arith.addi %scan3A_293, %scan3A_355 : i32
        %get3A_357 = arith.constant 3 : i32
        %get3A_358 = arith.index_cast %get3A_357 : i32 to index
        %get3A_359 = arith.index_cast %scan3A_356 : i32 to index
        %get3A_360 = arith.constant 0 : index
        %get3A_361 = tpu.vector_load %arg6[%get3A_358, %get3A_359, %get3A_360] {strides = array<i32>} : memref<4x200x64xf32, #tpu.memory_space<vmem>>, vector<1x1x16xf32>,
        %get3A_362 = vector.shape_cast %get3A_361 : vector<1x1x16xf32> to vector<16xf32>
        %add3A_363 = arith.addf %add3A_333, %get3A_362 : vector<16xf32>
        %get3A_364 = arith.constant 3 : i32
        %get3A_365 = arith.index_cast %get3A_364 : i32 to index
        %get3A_366 = arith.index_cast %scan3A_356 : i32 to index
        %get3A_367 = arith.constant 16 : index
        %get3A_368 = tpu.vector_load %arg6[%get3A_365, %get3A_366, %get3A_367] {strides = array<i32>} : memref<4x200x64xf32, #tpu.memory_space<vmem>>, vector<1x1x16xf32>,
        %get3A_369 = vector.shape_cast %get3A_368 : vector<1x1x16xf32> to vector<16xf32>
        %add3A_370 = arith.addf %add3A_340, %get3A_369 : vector<16xf32>
        %get3A_371 = arith.constant 3 : i32
        %get3A_372 = arith.index_cast %get3A_371 : i32 to index
        %get3A_373 = arith.index_cast %scan3A_356 : i32 to index
        %get3A_374 = arith.constant 32 : index
        %get3A_375 = tpu.vector_load %arg6[%get3A_372, %get3A_373, %get3A_374] {strides = array<i32>} : memref<4x200x64xf32, #tpu.memory_space<vmem>>, vector<1x1x16xf32>,
        %get3A_376 = vector.shape_cast %get3A_375 : vector<1x1x16xf32> to vector<16xf32>
        %add3A_377 = arith.addf %add3A_347, %get3A_376 : vector<16xf32>
        %get3A_378 = arith.constant 3 : i32
        %get3A_379 = arith.index_cast %get3A_378 : i32 to index
        %get3A_380 = arith.index_cast %scan3A_356 : i32 to index
        %get3A_381 = arith.constant 48 : index
        %get3A_382 = tpu.vector_load %arg6[%get3A_379, %get3A_380, %get3A_381] {strides = array<i32>} : memref<4x200x64xf32, #tpu.memory_space<vmem>>, vector<1x1x16xf32>,
        %get3A_383 = vector.shape_cast %get3A_382 : vector<1x1x16xf32> to vector<16xf32>
        %add3A_384 = arith.addf %add3A_354, %get3A_383 : vector<16xf32>
        %scan3A_385 = arith.constant 3 : i32
        %scan3A_386 = arith.addi %scan3A_293, %scan3A_385 : i32
        %get3A_387 = arith.constant 3 : i32
        %get3A_388 = arith.index_cast %get3A_387 : i32 to index
        %get3A_389 = arith.index_cast %scan3A_386 : i32 to index
        %get3A_390 = arith.constant 0 : index
        %get3A_391 = tpu.vector_load %arg6[%get3A_388, %get3A_389, %get3A_390] {strides = array<i32>} : memref<4x200x64xf32, #tpu.memory_space<vmem>>, vector<1x1x16xf32>,
        %get3A_392 = vector.shape_cast %get3A_391 : vector<1x1x16xf32> to vector<16xf32>
        %add3A_393 = arith.addf %add3A_363, %get3A_392 : vector<16xf32>
        %get3A_394 = arith.constant 3 : i32
        %get3A_395 = arith.index_cast %get3A_394 : i32 to index
        %get3A_396 = arith.index_cast %scan3A_386 : i32 to index
        %get3A_397 = arith.constant 16 : index
        %get3A_398 = tpu.vector_load %arg6[%get3A_395, %get3A_396, %get3A_397] {strides = array<i32>} : memref<4x200x64xf32, #tpu.memory_space<vmem>>, vector<1x1x16xf32>,
        %get3A_399 = vector.shape_cast %get3A_398 : vector<1x1x16xf32> to vector<16xf32>
        %add3A_400 = arith.addf %add3A_370, %get3A_399 : vector<16xf32>
        %get3A_401 = arith.constant 3 : i32
        %get3A_402 = arith.index_cast %get3A_401 : i32 to index
        %get3A_403 = arith.index_cast %scan3A_386 : i32 to index
        %get3A_404 = arith.constant 32 : index
        %get3A_405 = tpu.vector_load %arg6[%get3A_402, %get3A_403, %get3A_404] {strides = array<i32>} : memref<4x200x64xf32, #tpu.memory_space<vmem>>, vector<1x1x16xf32>,
        %get3A_406 = vector.shape_cast %get3A_405 : vector<1x1x16xf32> to vector<16xf32>
        %add3A_407 = arith.addf %add3A_377, %get3A_406 : vector<16xf32>
        %get3A_408 = arith.constant 3 : i32
        %get3A_409 = arith.index_cast %get3A_408 : i32 to index
        %get3A_410 = arith.index_cast %scan3A_386 : i32 to index
        %get3A_411 = arith.constant 48 : index
        %get3A_412 = tpu.vector_load %arg6[%get3A_409, %get3A_410, %get3A_411] {strides = array<i32>} : memref<4x200x64xf32, #tpu.memory_space<vmem>>, vector<1x1x16xf32>,
        %get3A_413 = vector.shape_cast %get3A_412 : vector<1x1x16xf32> to vector<16xf32>
        %add3A_414 = arith.addf %add3A_384, %get3A_413 : vector<16xf32>
        scf.yield %add3A_393, %add3A_400, %add3A_407, %add3A_414 : vector<16xf32>, vector<16xf32>, vector<16xf32>, vector<16xf32>
      }
      %scan3A_260 = arith.constant 200 : i32
      %mul3A_261 = arith.constant 5.000000e-03 : f32
      %mul3A_262 = vector.broadcast %mul3A_261 : f32 to vector<16xf32>
      %mul3A_263 = arith.mulf %scan3A_259#0, %mul3A_262 : vector<16xf32>
      %swap3A_264 = arith.index_cast %add3A_232 : i32 to index
      %swap3A_265 = arith.constant 0 : index
      %swap3A_266 = tpu.vector_load %arg7[%swap3A_264, %swap3A_265] {strides = array<i32>} : memref<128x64xf32, #tpu.memory_space<vmem>>, vector<1x16xf32>,
      %swap3A_267 = vector.shape_cast %swap3A_266 : vector<1x16xf32> to vector<16xf32>
      %swap3A_268 = vector.shape_cast %mul3A_263 : vector<16xf32> to vector<1x16xf32>
      tpu.vector_store %arg7[%swap3A_264, %swap3A_265], %swap3A_268 {strides = array<i32>} : memref<128x64xf32, #tpu.memory_space<vmem>>, vector<1x16xf32>,
      %mul3A_269 = arith.constant 5.000000e-03 : f32
      %mul3A_270 = vector.broadcast %mul3A_269 : f32 to vector<16xf32>
      %mul3A_271 = arith.mulf %scan3A_259#1, %mul3A_270 : vector<16xf32>
      %swap3A_272 = arith.index_cast %add3A_232 : i32 to index
      %swap3A_273 = arith.constant 16 : index
      %swap3A_274 = tpu.vector_load %arg7[%swap3A_272, %swap3A_273] {strides = array<i32>} : memref<128x64xf32, #tpu.memory_space<vmem>>, vector<1x16xf32>,
      %swap3A_275 = vector.shape_cast %swap3A_274 : vector<1x16xf32> to vector<16xf32>
      %swap3A_276 = vector.shape_cast %mul3A_271 : vector<16xf32> to vector<1x16xf32>
      tpu.vector_store %arg7[%swap3A_272, %swap3A_273], %swap3A_276 {strides = array<i32>} : memref<128x64xf32, #tpu.memory_space<vmem>>, vector<1x16xf32>,
      %mul3A_277 = arith.constant 5.000000e-03 : f32
      %mul3A_278 = vector.broadcast %mul3A_277 : f32 to vector<16xf32>
      %mul3A_279 = arith.mulf %scan3A_259#2, %mul3A_278 : vector<16xf32>
      %swap3A_280 = arith.index_cast %add3A_232 : i32 to index
      %swap3A_281 = arith.constant 32 : index
      %swap3A_282 = tpu.vector_load %arg7[%swap3A_280, %swap3A_281] {strides = array<i32>} : memref<128x64xf32, #tpu.memory_space<vmem>>, vector<1x16xf32>,
      %swap3A_283 = vector.shape_cast %swap3A_282 : vector<1x16xf32> to vector<16xf32>
      %swap3A_284 = vector.shape_cast %mul3A_279 : vector<16xf32> to vector<1x16xf32>
      tpu.vector_store %arg7[%swap3A_280, %swap3A_281], %swap3A_284 {strides = array<i32>} : memref<128x64xf32, #tpu.memory_space<vmem>>, vector<1x16xf32>,
      %mul3A_285 = arith.constant 5.000000e-03 : f32
      %mul3A_286 = vector.broadcast %mul3A_285 : f32 to vector<16xf32>
      %mul3A_287 = arith.mulf %scan3A_259#3, %mul3A_286 : vector<16xf32>
      %swap3A_288 = arith.index_cast %add3A_232 : i32 to index
      %swap3A_289 = arith.constant 48 : index
      %swap3A_290 = tpu.vector_load %arg7[%swap3A_288, %swap3A_289] {strides = array<i32>} : memref<128x64xf32, #tpu.memory_space<vmem>>, vector<1x16xf32>,
      %swap3A_291 = vector.shape_cast %swap3A_290 : vector<1x16xf32> to vector<16xf32>
      %swap3A_292 = vector.shape_cast %mul3A_287 : vector<16xf32> to vector<1x16xf32>
      tpu.vector_store %arg7[%swap3A_288, %swap3A_289], %swap3A_292 {strides = array<i32>} : memref<128x64xf32, #tpu.memory_space<vmem>>, vector<1x16xf32>,
    }
    %scan3A_42 = arith.constant 32 : i32
    "tpu.region"() ({
      %run_scoped3A = tpu.sem_alloc : memref<!tpu.dma_semaphore, #tpu.memory_space<semaphore_mem>>
      %dma_start3A_43 = arith.constant 0 : i32
      %dma_start3A_44 = tpu.memref_slice %arg4[%mul3A_2, %dma_start3A_43] : memref<4096x64xf32, #tpu.memory_space<hbm>> -> memref<128x64xf32, #tpu.memory_space<hbm>>
      %dma_start3A_45 = arith.constant 0 : i32
      %dma_start3A_46 = tpu.memref_slice %arg4[%mul3A_2, %dma_start3A_45] : memref<4096x64xf32, #tpu.memory_space<hbm>> -> memref<128x64xf32, #tpu.memory_space<hbm>>
      tpu.enqueue_dma source(%arg7 : memref<128x64xf32, #tpu.memory_space<vmem>>) target(%dma_start3A_46 : memref<128x64xf32, #tpu.memory_space<hbm>>) target_semaphore(%run_scoped3A : memref<!tpu.dma_semaphore, #tpu.memory_space<semaphore_mem>>)
      %dma_wait3A = arith.constant 0 : i32
      %dma_wait3A_47 = tpu.memref_slice %arg4[%mul3A_2, %dma_wait3A] : memref<4096x64xf32, #tpu.memory_space<hbm>> -> memref<128x64xf32, #tpu.memory_space<hbm>>
      %dma_wait3A_48 = arith.constant 0 : i32
      %dma_wait3A_49 = tpu.memref_slice %arg4[%mul3A_2, %dma_wait3A_48] : memref<4096x64xf32, #tpu.memory_space<hbm>> -> memref<128x64xf32, #tpu.memory_space<hbm>>
      tpu.wait_dma2 semaphore(%run_scoped3A : memref<!tpu.dma_semaphore, #tpu.memory_space<semaphore_mem>>) src(%arg7 : memref<128x64xf32, #tpu.memory_space<vmem>>) dst(%dma_wait3A_49 : memref<128x64xf32, #tpu.memory_space<hbm>>)
      tpu.yield
    }) : () -> ()
    return
  }
}

module attributes {stable_mosaic.version = 14 : i64} {
  func.func @body(%arg0: memref<4096x64xf32, #tpu.memory_space<vmem>>, %arg1: memref<64x16xf32, #tpu.memory_space<vmem>>, %arg2: memref<1x16xf32, #tpu.memory_space<vmem>>, %arg3: memref<4096x16xf32, #tpu.memory_space<vmem>>) attributes {dimension_semantics = [], scalar_prefetch = 0 : i64, scratch_operands = 0 : i64, tpu.core_type = #tpu.core_type<tc>} {
    %get3A = arith.constant 0 : index
    %get3A_0 = arith.constant 0 : index
    %get3A_1 = vector.load %arg0[%get3A, %get3A_0] : memref<4096x64xf32, #tpu.memory_space<vmem>>, vector<4096x64xf32>
    %get3A_2 = arith.constant 0 : index
    %get3A_3 = arith.constant 0 : index
    %get3A_4 = vector.load %arg1[%get3A_2, %get3A_3] : memref<64x16xf32, #tpu.memory_space<vmem>>, vector<64x16xf32>
    %dot_general3A = arith.constant dense<0.000000e+00> : vector<4096x16xf32>
    %dot_general3A_5 = tpu.matmul %get3A_1, %get3A_4, %dot_general3A {dimension_numbers = #tpu.dot_dimension_numbers<[1], [0], [0], [1], [0, 0, 1, 1], [], []>, transpose_lhs_hint = false} : vector<4096x64xf32>, vector<64x16xf32>, vector<4096x16xf32> -> vector<4096x16xf32>
    %get3A_6 = arith.constant 0 : index
    %get3A_7 = arith.constant 0 : index
    %get3A_8 = vector.load %arg2[%get3A_6, %get3A_7] : memref<1x16xf32, #tpu.memory_space<vmem>>, vector<1x16xf32>
    %add3A = vector.broadcast %get3A_8 : vector<1x16xf32> to vector<4096x16xf32>
    %add3A_9 = arith.addf %dot_general3A_5, %add3A : vector<4096x16xf32>
    %swap3A = arith.constant 0 : index
    %swap3A_10 = arith.constant 0 : index
    %swap3A_11 = vector.load %arg3[%swap3A, %swap3A_10] : memref<4096x16xf32, #tpu.memory_space<vmem>>, vector<4096x16xf32>
    tpu.vector_store %arg3[%swap3A, %swap3A_10], %add3A_9 {strides = array<i32>} : memref<4096x16xf32, #tpu.memory_space<vmem>>, vector<4096x16xf32>,
    return
  }
}

</mosaic_0001>

<sc_bundles>
// kernel: kernel.4.cloned.1.call-start
scs
__scs_entry_jumppad:
0x0: {  	(pc) =	sbr.rel $0x88, $3  }
0x1: {  	(tag) =	ssettag $0x0;
	lr =	simm.s32 $0x1  }
0x2: {  	[smem:$0x3F9D] =	sst lr;
	_ =	strace $0xD0000000  }
0x3: {  	_ = 	snop  }
0x4: {  	_ = 	snop  }
0x5: {  	_ = 	snop  }
0x6: {  	_ = 	snop  }
0x7: {  	_ = 	snop  }
__scs_overlays_trampoline_lowered:
0x8: {  	[smem:$0x3FAC] =	sst s0  }
0x9: {  	[smem:$0x3FAD] =	sst s1  }
0xa: {  	[smem:$0x3FAE] =	sst s2  }
0xb: {  	[smem:$0x3FAF] =	sst s3  }
0xc: {  	[smem:$0x3FB0] =	sst s4  }
0xd: {  	[smem:$0x3FB1] =	sst s5  }
0xe: {  	[smem:$0x3FB2] =	sst s6  }
0xf: {  	[smem:$0x3FB3] =	sst s7  }
0x10: {  	[smem:$0x3FB4] =	sst s8  }
0x11: {  	[smem:$0x3FB5] =	sst s9;
	s0 =	simm.s32 @!p0 $0x0  }
0x12: {  	s1 =	sld [smem:$0x3F9B];
	s0 =	simm.s32 @p0 $0x1  }
0x13: {  	[smem:$0x3FB6] =	sst s0;
	s0 =	simm.s32 @!p1 $0x0  }
0x14: {  	s2 =	sld [smem:$0x3F9A];
	s0 =	simm.s32 @p1 $0x1  }
0x15: {  	[smem:$0x3FB7] =	sst s0;
	s0 =	simm.s32 @!p2 $0x0  }
0x16: {  	s3 =	sld [smem:$0x3FDB];
	s0 =	simm.s32 @p2 $0x1  }
0x17: {  	s4 =	simm.s32 $0x1BF5;
	[smem:$0x3FB9] =	sst s0  }
0x18: {  	s0 =	sld [smem:$0x3F9C];
	_ =	swait.ge [sflag:s4], $0x0  }
0x19: {  	s7 =	sld [smem:$0x3F9D]  }
0x1a: {  	s8 =	sadd.s32 $0xFFFFE003, lr  }
0x1b: {  	s9 =	sadd.s32 $0xFFFFFEF7, lr;
	s5 =	simm.s32 $0xFFFFFFFF;
	p2 =	slt.u32 s8, $0xFFFFF086  }
0x1c: {  	p1 =	slt.u32 s9, $0xF7A;
	s5 =	simm.s32 @!p2 $0x0  }
0x1d: {  	s5 =	simm.s32 @p1 $0x1;
	p0 =	seq.s32 s7, s2  }
0x1e: {  	s7 =	smul.u32 @!p0 $0xF7A, s2;
	p2 =	seq.s32 @!p0 s5, $0x0  }
0x1f: {  	s9 =	smul.u32 $0xF7A, s1;
	s8 =	simm.s32 @!p0 $0x1BF5;
	p2 =	por !p2, p0  }
0x20: {  	[sflag:s8] =	ssyncset.s32 @!p0 $0xFFFFF086;
	s6 =	sadd.s32 @!p0 s3, s7;
	s7 =	simm.s32 @!p0 $0x108  }
0x21: {  	s3 =	sadd.s32 s3, s9;
	s6 =	sadd.s32 @!p0 $0x88, s6;
	s7 =	simm.s32 @p2 $0x1082  }
0x22: {  	[simem:s7], [sflag:s8] =	dma.local @!p0 [hbm:s6], $0xF7A  }
0x23: {  	s9 =	sor.u32 $0xD0000000, s2;
	s6 =	simm.s32 $0x108;
	_ =	swait.ge @!p0 [sflag:s8], $0x0  }
0x24: {  	s3 =	sadd.s32 $0x88, s3;
	s6 =	simm.s32 @!p1 $0x1082;
	[sflag:s4] =	ssyncset.s32 $0xFFFFF086  }
0x25: {  	[simem:s6], [sflag:s4] =	dma.local [hbm:s3], $0xF7A  }
0x26: {  	[smem:$0x3F9D] =	sst s1;
	(tag) =	ssettag s2;
	_ =	strace s9  }
0x27: {  	s1 =	sld [smem:$0x3FAD]  }
0x28: {  	s2 =	sld [smem:$0x3FAE]  }
0x29: {  	s4 =	sld [smem:$0x3FB0]  }
0x2a: {  	p0 =	seq.s32 s5, $0x0;
	s5 =	sld [smem:$0x3FB1]  }
0x2b: {  	s6 =	sld [smem:$0x3FB2]  }
0x2c: {  	s7 =	sld [smem:$0x3FB3]  }
0x2d: {  	s3 =	simm.s32 $0x108;
	s8 =	sld [smem:$0x3FB4]  }
0x2e: {  	s3 =	simm.s32 @!p0 $0x1082;
	s9 =	sld [smem:$0x3FB5]  }
0x2f: {  	lr =	sadd.s32 s0, s3;
	s0 =	sld [smem:$0x3FAC]  }
0x30: {  	s3 =	sld [smem:$0x3FAF]  }
0x31: {  	[smem:$0x3FB8] =	sst s10  }
0x32: {  	s10 =	sld [smem:$0x3FB6];
	_ =	sdelay $0x3  }
0x33: {  	p0 =	seq.s32 s10, $0x1;
	s10 =	sld [smem:$0x3FB8];
	_ =	sdelay $0x3  }
0x34: {  	[smem:$0x3FB8] =	sst s10  }
0x35: {  	s10 =	sld [smem:$0x3FB7];
	_ =	sdelay $0x3  }
0x36: {  	p1 =	seq.s32 s10, $0x1;
	s10 =	sld [smem:$0x3FB8];
	_ =	sdelay $0x3  }
0x37: {  	[smem:$0x3FB8] =	sst s10  }
0x38: {  	s10 =	sld [smem:$0x3FB9]  }
0x39: {  	_ = 	snop;
	(pc) =	sbr.ind lr, $3  }
0x3a: {  	_ = 	snop  }
0x3b: {  	_ = 	snop  }
0x3c: {  	p2 =	seq.s32 s10, $0x1;
	s10 =	sld [smem:$0x3FB8]  }
0x3d: {  	_ =	shalt  }
0x3e: {  	_ =	shalt  }
0x3f: {  	_ =	shalt  }
0x40: {  	_ =	shalt  }
0x41: {  	_ =	shalt  }
0x42: {  	_ =	shalt  }
0x43: {  	_ =	shalt  }
0x44: {  	_ =	shalt  }
0x45: {  	_ =	shalt  }
0x46: {  	_ =	shalt  }
0x47: {  	_ =	shalt  }
0x48: {  	_ =	shalt  }
0x49: {  	_ =	shalt  }
0x4a: {  	_ =	shalt  }
0x4b: {  	_ =	shalt  }
0x4c: {  	_ =	shalt  }
0x4d: {  	_ =	shalt  }
0x4e: {  	_ =	shalt  }
0x4f: {  	_ =	shalt  }
0x50: {  	_ =	shalt  }
0x51: {  	_ =	shalt  }
0x52: {  	_ =	shalt  }
0x53: {  	_ =	shalt  }
0x54: {  	_ =	shalt  }
0x55: {  	_ =	shalt  }
0x56: {  	_ =	shalt  }
0x57: {  	_ =	shalt  }
0x58: {  	_ =	shalt  }
0x59: {  	_ =	shalt  }
0x5a: {  	_ =	shalt  }
0x5b: {  	_ =	shalt  }
0x5c: {  	_ =	shalt  }
0x5d: {  	_ =	shalt  }
0x5e: {  	_ =	shalt  }
0x5f: {  	_ =	shalt  }
0x60: {  	_ =	shalt  }
0x61: {  	_ =	shalt  }
0x62: {  	_ =	shalt  }
0x63: {  	_ =	shalt  }
0x64: {  	_ =	shalt  }
0x65: {  	_ =	shalt  }
0x66: {  	_ =	shalt  }
0x67: {  	_ =	shalt  }
0x68: {  	_ =	shalt  }
0x69: {  	_ =	shalt  }
0x6a: {  	_ =	shalt  }
0x6b: {  	_ =	shalt  }
0x6c: {  	_ =	shalt  }
0x6d: {  	_ =	shalt  }
0x6e: {  	_ =	shalt  }
0x6f: {  	_ =	shalt  }
0x70: {  	_ =	shalt  }
0x71: {  	_ =	shalt  }
0x72: {  	_ =	shalt  }
0x73: {  	_ =	shalt  }
0x74: {  	_ =	shalt  }
0x75: {  	_ =	shalt  }
0x76: {  	_ =	shalt  }
0x77: {  	_ =	shalt  }
0x78: {  	_ =	shalt  }
0x79: {  	_ =	shalt  }
0x7a: {  	_ =	shalt  }
0x7b: {  	_ =	shalt  }
0x7c: {  	_ =	shalt  }
0x7d: {  	_ =	shalt  }
0x7e: {  	_ =	shalt  }
0x7f: {  	_ =	shalt  }
0x80: {  	_ =	shalt  }
0x81: {  	_ =	shalt  }
0x82: {  	_ =	shalt  }
0x83: {  	_ =	shalt  }
0x84: {  	_ =	shalt  }
0x85: {  	_ =	shalt  }
0x86: {  	_ =	shalt  }
0x87: {  	_ =	shalt  }
.Lfunc_end0:
.L_simem_size_0:
called_computation_lowered:
.L_overlay_start_0:
0x88: {  	s2 =	sld [smem:$0x3FD9]  }
0x89: {  	s3 =	sld [smem:$0x3FFE];
	_ =	sdelay $0x1  }
0x8a: {  	s1 =	srdreg.scid  }
0x8b: {  	s0 =	sand.u32 $0x1, s1  }
0x8c: {  	s16 =	sshll.u32 s0, $0xA;
	s2 =	sadd.s32 s3, s2  }
0x8d: {  	s2 =	sadd.s32 s2, s16  }
0x8e: {  	[smem:$0x3FC4] =	sst s2  }
0x8f: {  	_ = 	snop  }
0x90: {  	(tm) =	ssettm $0x1  }
0x91: {  	s17 =	sld [smem:$0x3FFB];
	_ =	sdelay $0x3  }
0x92: {  	_ =	strace s17  }
0x93: {  	s2 =	sld [smem:$0x3FFC];
	_ =	sdelay $0x3  }
0x94: {  	_ =	strace s2  }
0x95: {  	s2 =	sld [smem:$0x3FFD];
	_ =	sdelay $0x3  }
0x96: {  	_ =	strace s2  }
0x97: {  	_ =	strace $0x8FFFFFFF  }
0x98: {  	s18 =	sld [smem:$0x3FDB];
	_ =	sdelay $0x1  }
0x99: {  	s19 =	simm.s32 $_scs_section_size  }
0x9a: {  	s4 =	simm.s32 $_size__tile_overlayer_lowered;
	s5 =	simm.s32 $_tile_overlayer_lowered  }
0x9b: {  	s22 =	simm.s32 $0x1BFF;
	s21 =	sshll.u32 s5, $0x1;
	s2 =	sadd.s32 s19, s18  }
0x9c: {  	s6 =	simm.s32 $0x0;
	s20 =	sshll.u32 s4, $0x1;
	s4 =	sadd.s32 s21, s2  }
0x9d: {  	[timem:s6], [sflag:s22] =	dma.local [hbm:s4], s20  }
0x9e: {  	_ =	swait.ge [sflag:s22], s20  }
0x9f: {  	s3 =	ssub.s32 $0x0, s20;
	[sflag:s22] =	ssyncset.done $0x0  }
0xa0: {  	[sflag:s22] =	ssyncadd.s32 s3;
	_ =	sdelay $0x1  }
0xa1: {  	s23 =	simm.s32 $0x1B8B  }
0xa2: {  	_ =	swait.ge [sflag:s23], $0x1  }
0xa3: {  	[sflag:s23] =	ssyncset.done $0x0  }
0xa4: {  	s25 =	simm.s32 $0x1B8E;
	s24 =	sld [smem:$0x3FFE];
	[sflag:s23] =	ssyncadd.s32 $0xFFFFFFFF  }
0xa5: {  	s26 =	simm.s32 $execute0_lowered;
	[smem:$0x3FD2] =	sst s25  }
0xa6: {  	s4 =	sshll.u32 s26, $0x1;
	_ =	strace $0x80000046;
	[dreg:$0x1] =	wrdreg $0xFFFFFFFF  }
0xa7: {  	s28 =	simm.s32 $_size_execute0_lowered;
	s2 =	sadd.s32 s2, s4;
	[dreg:$0x0] =	wrdreg $0x0  }
0xa8: {  	s4 =	sshll.u32 s28, $0x1;
	[dreg:$0x2] =	wrdreg s2  }
0xa9: {  	[dreg:$0x3] =	wrdreg s4  }
0xaa: {  	[dreg:$0x4] =	wrdreg $0xC0  }
0xab: {  	_ =	task [dreg:s6], $0x5FFFF  }
0xac: {  	[dreg:$0x1] =	wrdreg $0xFFFFFFFF  }
0xad: {  	[dreg:$0x0] =	wrdreg $0x60  }
0xae: {  	[dreg:$0x2] =	wrdreg s24  }
0xaf: {  	[dreg:$0x3] =	wrdreg $0x9  }
0xb0: {  	_ =	task.clear_ibuf [dreg:s6], $0x4FFFF;
	_ =	strace $0x90000046  }
0xb1: {  	s29 =	simm.s32 $0x9;
	_ =	strace $0x80000048  }
0xb2: {  	_ =	swait.ge [sflag:s29], $0x1  }
0xb3: {  	[sflag:s29] =	ssyncadd.s32 $0xFFFFFFFF  }
0xb4: {  	_ =	strace $0x90000048  }
0xb5: {  	_ =	sfence  }
0xb6: {  	s30 =	sld [smem:$0x0];
	_ =	sdelay $0x2  }
0xb7: {  	s31 =	sshll.u32 s1, $0xD;
	s1 =	sshrl.u32 s1, $0x2  }
0xb8: {  	s3 =	sand.u32 $0x4000, s31;
	s1 =	sadd.s32 s1, s30  }
0xb9: {  	s0 =	sor.u32 s3, s0;
	s1 =	sshll.u32 s1, $0x11  }
0xba: {  	s0 =	sor.u32 s1, s0  }
0xbb: {  	s0 =	sadd.s32 $0x8F2B, s0  }
0xbc: {  	[sflag:s0] =	ssyncadd.remote.s32 $0x1  }
0xbd: {  	_ =	sfence.sel $0xFFFF  }
0xbe: {  	[dreg:$0x0] =	wrdreg $0xFFFFFFFF;
	(pc) =	sbr.abs _section_cstart, $3  }
0xbf: {  	[dreg:$0x1] =	wrdreg $0xFFFFFFFF  }
0xc0: {  	_ =	task.clear_ibuf [dreg:s6], $0x2FFFF;
	_ =	strace $0x9FFFFFFF  }
0xc1: {  	(tm) =	ssettm $0x7FFFFFFF  }
tec
execute0_lowered:
.L_overlay_start_1:
0x0: {  	(tag) =	ssettag $0x1  }
0x1: {  	s1 =	srdreg.scid;
	s0 =	stileid.u32  }
0x2: {  	s4 =	rddreg [dreg:$0x0];
	s9 =	simm.s32 $0x6400;
	s10 =	simm.s32 $0x9600  }
0x3: {  	s11 =	simm.s32 $0x190;
	s12 =	simm.s32 $0xC800;
	s13 =	simm.s32 $0xFA00  }
0x4: {  	s14 =	simm.s32 $0x1;
	s15 =	simm.s32 $0x12C00;
	s16 =	simm.s32 $0x0  }
0x5: {  	s3 =	sand.u32 $0x1, s1;
	s31 =	sshll.u32 s0, $0x8;
	s1 =	rddreg [dreg:$0x1]  }
0x6: {  	s2 =	sshll.u32 s3, $0x7;
	s7 =	ssub.s32 $0x2, s3;
	s3 =	sadd.s32 $0xF42E00, s4  }
0x7: {  	s5 =	sor.u32 s2, s31;
	s2 =	simm.s32 $0x0;
	s8 =	sshrl.u32 s7, $0x1  }
0x8: {  	s6 =	smul.u32 $0x19, s5;
	[smem:$0x7FF] =	sst s2;
	s5 =	sshll.u32 s5, $0x3  }
0x9: {  	s7 =	ssub.s32 s7, s8;
	s8 =	simm.s32 $0xC8;
	s5 =	sadd.s32 s5, s4  }
0xa: {  	_ =	strace $0x80000047;
	s6 =	sadd.s32 s6, s4;
	s5 =	sadd.s32 $0x19A00, s5  }
0xb: {  	s4 =	sadd.s32 $0xA00, s6;
	s6 =	smax.u32 s7, $0x1;
	s7 =	simm.s32 $0x2  }
.LBB2_1:
0xc: {  	[tilespmem:s2], [sflag:$0x2] =	stream.linear.gather [hbm4b:s4+s2], $0x6400, $0x38;
	[tilespmem:$0x14C00] =	vst v63  }
0xd: {  	_ =	swait.ge [sflag:s7], $0x6400  }
0xe: {  	[sflag:s7] =	ssyncset.done $0x0  }
0xf: {  	[sflag:s7] =	ssyncadd.s32 $0xFFFF9C00  }
0x10: {  	[tilespmem:s9], [sflag:$0x1] =	stream.indirect.gather [hbm4b:s3+s8], $0x40, s2, s8, $0xb8;
	[tilespmem:$0x14C00] =	vst v63  }
0x11: {  	_ = 	snop  }
0x12: {  	[tilespmem:s10], [sflag:$0x1] =	stream.indirect.gather [hbm4b:s3+s8], $0x40, s8, s8, $0xb8;
	[tilespmem:$0x14C00] =	vst v63  }
0x13: {  	s17 =	simm.s32 $0x0  }
0x14: {  	[tilespmem:s12], [sflag:$0x1] =	stream.indirect.gather [hbm4b:s3+s8], $0x40, s11, s8, $0xb8;
	[tilespmem:$0x14C00] =	vst v63  }
.LBB2_2:
0x15: {  	s18 =	sshllo.u32 s17, $0x2  }
0x16: {  	s19 =	smul.u32 $0x320, s18;
	_ =	sdelay $0x1  }
0x17: {  	s19 =	sshra.s32 s19, $0x2  }
0x18: {  	[tilespmem:s13], [sflag:$0x1] =	stream.indirect.gather [hbm4b:s3+s8], $0x40, s19, s8, $0xb8;
	[tilespmem:$0x14C00] =	vst v63  }
0x19: {  	_ =	swait.ge [sflag:s14], $0x3200  }
0x1a: {  	[sflag:s14] =	ssyncset.done $0x0  }
0x1b: {  	s20 =	simm.s32 $0x6480;
	[sflag:s14] =	ssyncadd.s32 $0xFFFFCE00  }
0x1c: {  	v0 =	vld [tilespmem:s20+$0x40]  }
0x1d: {  	v1 =	vld [tilespmem:s20+$0x50]  }
0x1e: {  	v2 =	vld [tilespmem:s20+$0x0]  }
0x1f: {  	v3 =	vld [tilespmem:s20+$0x10]  }
0x20: {  	v9 =	vld [tilespmem:s20+$0xFFFFFFC0]  }
0x21: {  	v12 =	vld [tilespmem:s20+$0xFFFFFFD0]  }
0x22: {  	v5 =	vld [tilespmem:s20+$0xFFFFFF80]  }
0x23: {  	v7 =	vld [tilespmem:s20+$0xFFFFFF90]  }
0x24: {  	v10 =	vld [tilespmem:s20+$0xFFFFFFA0]  }
0x25: {  	v13 =	vld [tilespmem:s20+$0xFFFFFFB0]  }
0x26: {  	v6 =	vld [tilespmem:s20+$0xFFFFFFE0]  }
0x27: {  	v8 =	vld [tilespmem:s20+$0xFFFFFFF0]  }
0x28: {  	v14 =	vimm.f32 $0.0e+00;
	v4 =	vld [tilespmem:s20+$0x20]  }
0x29: {  	v15 =	vadd.f32 v5, v14;
	v16 =	vadd.f32 v7, v14;
	v7 =	vld [tilespmem:s20+$0x30]  }
0x2a: {  	v11 =	vadd.f32 v10, v14;
	v10 =	vadd.f32 v13, v14;
	v5 =	vld [tilespmem:s20+$0x60]  }
0x2b: {  	s19 =	simm.s32 $0x0;
	v13 =	vadd.f32 v9, v15;
	v12 =	vadd.f32 v12, v16;
	v9 =	vld [tilespmem:s20+$0x70];
	s20 =	simm.s32 $0x6580  }
.LBB2_3:
0x2c: {  	v14 =	vld [tilespmem:s20+$0x40];
	v6 =	vadd.f32 v6, v11;
	v8 =	vadd.f32 v8, v10  }
0x2d: {  	v10 =	vld [tilespmem:s20+$0x50];
	v11 =	vadd.f32 v2, v13;
	v12 =	vadd.f32 v3, v12  }
0x2e: {  	v2 =	vld [tilespmem:s20+$0x0];
	v4 =	vadd.f32 v4, v6;
	v6 =	vadd.f32 v7, v8  }
0x2f: {  	v3 =	vld [tilespmem:s20+$0x10];
	v7 =	vadd.f32 v0, v11;
	v11 =	vadd.f32 v1, v12  }
0x30: {  	v12 =	vld [tilespmem:s20+$0xFFFFFFC0];
	v5 =	vadd.f32 v5, v4;
	v9 =	vadd.f32 v9, v6  }
0x31: {  	v15 =	vld [tilespmem:s20+$0xFFFFFFD0];
	v0 =	vmov v14  }
0x32: {  	v13 =	vld [tilespmem:s20+$0xFFFFFF80];
	v1 =	vmov v10  }
0x33: {  	v10 =	vld [tilespmem:s20+$0xFFFFFF90]  }
0x34: {  	v14 =	vld [tilespmem:s20+$0xFFFFFFA0]  }
0x35: {  	s19 =	sadd.s32 $0x4, s19;
	v16 =	vld [tilespmem:s20+$0xFFFFFFB0]  }
0x36: {  	p0 =	slt.u32 s19, $0xC4;
	v6 =	vld [tilespmem:s20+$0xFFFFFFE0]  }
.Ltmp0:
0x37: {  	v8 =	vld [tilespmem:s20+$0xFFFFFFF0];
	(pc) =	sbr.rel @p0 .LBB2_3-.Ltmp0, $4  }
0x38: {  	v4 =	vld [tilespmem:s20+$0x20]  }
0x39: {  	v13 =	vadd.f32 v13, v7;
	v17 =	vadd.f32 v10, v11;
	v7 =	vld [tilespmem:s20+$0x30]  }
0x3a: {  	v11 =	vadd.f32 v14, v5;
	v10 =	vadd.f32 v16, v9;
	v5 =	vld [tilespmem:s20+$0x60]  }
0x3b: {  	v13 =	vadd.f32 v12, v13;
	v12 =	vadd.f32 v15, v17;
	v9 =	vld [tilespmem:s20+$0x70];
	s20 =	sadd.s32 $0x100, s20  }
0x3c: {  	_ = 	snop  }
0x3d: {  	v6 =	vadd.f32 v6, v11;
	v2 =	vadd.f32 v2, v13  }
0x3e: {  	v8 =	vadd.f32 v8, v10;
	v3 =	vadd.f32 v3, v12  }
0x3f: {  	v4 =	vadd.f32 v4, v6;
	v0 =	vadd.f32 v0, v2  }
0x40: {  	v2 =	vadd.f32 v7, v8;
	v1 =	vadd.f32 v1, v3  }
0x41: {  	s19 =	sshll.u32 s17, $0x8;
	v3 =	vadd.f32 v5, v4;
	v0 =	vmul.f32 $4.999999890e-03, v0  }
0x42: {  	p0 =	seq.s32 s17, $0x1F;
	s19 =	sand.u32 $0x3FFFFF00, s19;
	v2 =	vadd.f32 v9, v2;
	v1 =	vmul.f32 $4.999999890e-03, v1  }
0x43: {  	s20 =	smul.u32 @!p0 $0xC80, s17;
	[tilespmem:s19+$0x12C00] =	vst v0;
	v0 =	vmul.f32 $4.999999890e-03, v3  }
0x44: {  	[tilespmem:s19+$0x12C10] =	vst v1;
	v1 =	vmul.f32 $4.999999890e-03, v2  }
0x45: {  	s20 =	sshra.s32 @!p0 s20, $0x2;
	[tilespmem:s19+$0x12C20] =	vst v0  }
0x46: {  	s22 =	simm.s32 @!p0 $0xC8;
	s23 =	simm.s32 @!p0 $0x6400;
	s21 =	sadd.s32 @!p0 $0x320, s20;
	[tilespmem:s19+$0x12C30] =	vst v1  }
0x47: {  	[tilespmem:s23], [sflag:$0x1] =	stream.indirect.gather @!p0 [hbm4b:s3+s22], $0x40, s21, s22, $0xb8;
	[tilespmem:$0x14C00] =	vst v63  }
0x48: {  	_ =	swait.ge [sflag:s14], $0x3200  }
0x49: {  	[sflag:s14] =	ssyncset.done $0x0  }
0x4a: {  	s31 =	simm.s32 $0x96F0;
	[sflag:s14] =	ssyncadd.s32 $0xFFFFCE00  }
0x4b: {  	v0 =	vld [tilespmem:s31+$0xFFFFFFD0]  }
0x4c: {  	v1 =	vld [tilespmem:s31+$0xFFFFFFE0]  }
0x4d: {  	v2 =	vld [tilespmem:s31+$0xFFFFFF90]  }
0x4e: {  	v3 =	vld [tilespmem:s31+$0xFFFFFFA0]  }
0x4f: {  	v9 =	vld [tilespmem:s31+$0xFFFFFF50]  }
0x50: {  	v12 =	vld [tilespmem:s31+$0xFFFFFF60]  }
0x51: {  	v5 =	vld [tilespmem:s31+$0xFFFFFF10]  }
0x52: {  	v7 =	vld [tilespmem:s31+$0xFFFFFF20]  }
0x53: {  	v10 =	vld [tilespmem:s31+$0xFFFFFF30]  }
0x54: {  	v13 =	vld [tilespmem:s31+$0xFFFFFF40]  }
0x55: {  	v6 =	vld [tilespmem:s31+$0xFFFFFF70]  }
0x56: {  	v8 =	vld [tilespmem:s31+$0xFFFFFF80]  }
0x57: {  	v14 =	vimm.f32 $0.0e+00;
	v4 =	vld [tilespmem:s31+$0xFFFFFFB0]  }
0x58: {  	v15 =	vadd.f32 v5, v14;
	v16 =	vadd.f32 v7, v14;
	v7 =	vld [tilespmem:s31+$0xFFFFFFC0]  }
0x59: {  	v11 =	vadd.f32 v10, v14;
	v10 =	vadd.f32 v13, v14;
	v5 =	vld [tilespmem:s31+$0xFFFFFFF0]  }
0x5a: {  	s21 =	simm.s32 $0x0;
	s22 =	simm.s32 $0x97F0;
	v13 =	vadd.f32 v9, v15;
	v12 =	vadd.f32 v12, v16;
	v9 =	vld [tilespmem:s31+$0x0]  }
.LBB2_5:
0x5b: {  	v14 =	vld [tilespmem:s22+$0xFFFFFFD0];
	v6 =	vadd.f32 v6, v11;
	v8 =	vadd.f32 v8, v10  }
0x5c: {  	v10 =	vld [tilespmem:s22+$0xFFFFFFE0];
	v11 =	vadd.f32 v2, v13;
	v12 =	vadd.f32 v3, v12  }
0x5d: {  	v2 =	vld [tilespmem:s22+$0xFFFFFF90];
	v4 =	vadd.f32 v4, v6;
	v6 =	vadd.f32 v7, v8  }
0x5e: {  	v3 =	vld [tilespmem:s22+$0xFFFFFFA0];
	v7 =	vadd.f32 v0, v11;
	v11 =	vadd.f32 v1, v12  }
0x5f: {  	v12 =	vld [tilespmem:s22+$0xFFFFFF50];
	v5 =	vadd.f32 v5, v4;
	v9 =	vadd.f32 v9, v6  }
0x60: {  	v15 =	vld [tilespmem:s22+$0xFFFFFF60];
	v0 =	vmov v14  }
0x61: {  	v13 =	vld [tilespmem:s22+$0xFFFFFF10];
	v1 =	vmov v10  }
0x62: {  	v10 =	vld [tilespmem:s22+$0xFFFFFF20]  }
0x63: {  	v14 =	vld [tilespmem:s22+$0xFFFFFF30]  }
0x64: {  	s21 =	sadd.s32 $0x4, s21;
	v16 =	vld [tilespmem:s22+$0xFFFFFF40]  }
0x65: {  	p1 =	slt.u32 s21, $0xC4;
	v6 =	vld [tilespmem:s22+$0xFFFFFF70]  }
.Ltmp1:
0x66: {  	v8 =	vld [tilespmem:s22+$0xFFFFFF80];
	(pc) =	sbr.rel @p1 .LBB2_5-.Ltmp1, $4  }
0x67: {  	v4 =	vld [tilespmem:s22+$0xFFFFFFB0]  }
0x68: {  	v13 =	vadd.f32 v13, v7;
	v17 =	vadd.f32 v10, v11;
	v7 =	vld [tilespmem:s22+$0xFFFFFFC0]  }
0x69: {  	v11 =	vadd.f32 v14, v5;
	v10 =	vadd.f32 v16, v9;
	v5 =	vld [tilespmem:s22+$0xFFFFFFF0]  }
0x6a: {  	v13 =	vadd.f32 v12, v13;
	v12 =	vadd.f32 v15, v17;
	v9 =	vld [tilespmem:s22+$0x0];
	s22 =	sadd.s32 $0x100, s22  }
0x6b: {  	_ = 	snop  }
0x6c: {  	v6 =	vadd.f32 v6, v11;
	v2 =	vadd.f32 v2, v13  }
0x6d: {  	v8 =	vadd.f32 v8, v10;
	v3 =	vadd.f32 v3, v12  }
0x6e: {  	v4 =	vadd.f32 v4, v6;
	v0 =	vadd.f32 v0, v2  }
0x6f: {  	v2 =	vadd.f32 v7, v8;
	v1 =	vadd.f32 v1, v3  }
0x70: {  	v3 =	vadd.f32 v5, v4;
	v0 =	vmul.f32 $4.999999890e-03, v0  }
0x71: {  	v2 =	vadd.f32 v9, v2;
	v1 =	vmul.f32 $4.999999890e-03, v1  }
0x72: {  	[tilespmem:s19+$0x12C40] =	vst v0;
	v0 =	vmul.f32 $4.999999890e-03, v3  }
0x73: {  	[tilespmem:s19+$0x12C50] =	vst v1;
	v1 =	vmul.f32 $4.999999890e-03, v2  }
0x74: {  	[tilespmem:s19+$0x12C60] =	vst v0  }
0x75: {  	s21 =	sadd.s32 @!p0 $0x3E8, s20;
	s22 =	simm.s32 @!p0 $0xC8;
	s23 =	simm.s32 @!p0 $0x9600;
	[tilespmem:s19+$0x12C70] =	vst v1  }
0x76: {  	[tilespmem:s23], [sflag:$0x1] =	stream.indirect.gather @!p0 [hbm4b:s3+s22], $0x40, s21, s22, $0xb8;
	[tilespmem:$0x14C00] =	vst v63  }
0x77: {  	_ =	swait.ge [sflag:s14], $0x3200  }
0x78: {  	[sflag:s14] =	ssyncset.done $0x0  }
0x79: {  	s31 =	simm.s32 $0xC800;
	[sflag:s14] =	ssyncadd.s32 $0xFFFFCE00  }
0x7a: {  	v0 =	vld [tilespmem:s31+$0xC0]  }
0x7b: {  	v1 =	vld [tilespmem:s31+$0xD0]  }
0x7c: {  	v2 =	vld [tilespmem:s31+$0x80]  }
0x7d: {  	v3 =	vld [tilespmem:s31+$0x90]  }
0x7e: {  	v9 =	vld [tilespmem:s31+$0x40]  }
0x7f: {  	v12 =	vld [tilespmem:s31+$0x50]  }
0x80: {  	v5 =	vld [tilespmem:s31+$0x0]  }
0x81: {  	v7 =	vld [tilespmem:s31+$0x10]  }
0x82: {  	v10 =	vld [tilespmem:s31+$0x20]  }
0x83: {  	v13 =	vld [tilespmem:s31+$0x30]  }
0x84: {  	v6 =	vld [tilespmem:s31+$0x60]  }
0x85: {  	v8 =	vld [tilespmem:s31+$0x70]  }
0x86: {  	v14 =	vimm.f32 $0.0e+00;
	v4 =	vld [tilespmem:s31+$0xA0]  }
0x87: {  	v15 =	vadd.f32 v5, v14;
	v16 =	vadd.f32 v7, v14;
	v7 =	vld [tilespmem:s31+$0xB0]  }
0x88: {  	v11 =	vadd.f32 v10, v14;
	v10 =	vadd.f32 v13, v14;
	v5 =	vld [tilespmem:s31+$0xE0]  }
0x89: {  	s21 =	simm.s32 $0x0;
	s22 =	simm.s32 $0xC900;
	v13 =	vadd.f32 v9, v15;
	v12 =	vadd.f32 v12, v16;
	v9 =	vld [tilespmem:s31+$0xF0]  }
.LBB2_7:
0x8a: {  	v14 =	vld [tilespmem:s22+$0xC0];
	v6 =	vadd.f32 v6, v11;
	v8 =	vadd.f32 v8, v10  }
0x8b: {  	v10 =	vld [tilespmem:s22+$0xD0];
	v11 =	vadd.f32 v2, v13;
	v12 =	vadd.f32 v3, v12  }
0x8c: {  	v2 =	vld [tilespmem:s22+$0x80];
	v4 =	vadd.f32 v4, v6;
	v6 =	vadd.f32 v7, v8  }
0x8d: {  	v3 =	vld [tilespmem:s22+$0x90];
	v7 =	vadd.f32 v0, v11;
	v11 =	vadd.f32 v1, v12  }
0x8e: {  	v12 =	vld [tilespmem:s22+$0x40];
	v5 =	vadd.f32 v5, v4;
	v9 =	vadd.f32 v9, v6  }
0x8f: {  	v15 =	vld [tilespmem:s22+$0x50];
	v0 =	vmov v14  }
0x90: {  	v13 =	vld [tilespmem:s22+$0x0];
	v1 =	vmov v10  }
0x91: {  	v10 =	vld [tilespmem:s22+$0x10]  }
0x92: {  	v14 =	vld [tilespmem:s22+$0x20]  }
0x93: {  	s21 =	sadd.s32 $0x4, s21;
	v16 =	vld [tilespmem:s22+$0x30]  }
0x94: {  	p1 =	slt.u32 s21, $0xC4;
	v6 =	vld [tilespmem:s22+$0x60]  }
.Ltmp2:
0x95: {  	v8 =	vld [tilespmem:s22+$0x70];
	(pc) =	sbr.rel @p1 .LBB2_7-.Ltmp2, $4  }
0x96: {  	v4 =	vld [tilespmem:s22+$0xA0]  }
0x97: {  	v13 =	vadd.f32 v13, v7;
	v17 =	vadd.f32 v10, v11;
	v7 =	vld [tilespmem:s22+$0xB0]  }
0x98: {  	v11 =	vadd.f32 v14, v5;
	v10 =	vadd.f32 v16, v9;
	v5 =	vld [tilespmem:s22+$0xE0]  }
0x99: {  	v13 =	vadd.f32 v12, v13;
	v12 =	vadd.f32 v15, v17;
	v9 =	vld [tilespmem:s22+$0xF0];
	s22 =	sadd.s32 $0x100, s22  }
0x9a: {  	_ = 	snop  }
0x9b: {  	v6 =	vadd.f32 v6, v11;
	v2 =	vadd.f32 v2, v13  }
0x9c: {  	v8 =	vadd.f32 v8, v10;
	v3 =	vadd.f32 v3, v12  }
0x9d: {  	v4 =	vadd.f32 v4, v6;
	v0 =	vadd.f32 v0, v2  }
0x9e: {  	v2 =	vadd.f32 v7, v8;
	v1 =	vadd.f32 v1, v3  }
0x9f: {  	v3 =	vadd.f32 v5, v4;
	v0 =	vmul.f32 $4.999999890e-03, v0  }
0xa0: {  	v2 =	vadd.f32 v9, v2;
	v1 =	vmul.f32 $4.999999890e-03, v1  }
0xa1: {  	[tilespmem:s19+$0x12C80] =	vst v0;
	v0 =	vmul.f32 $4.999999890e-03, v3  }
0xa2: {  	[tilespmem:s19+$0x12C90] =	vst v1;
	v1 =	vmul.f32 $4.999999890e-03, v2  }
0xa3: {  	[tilespmem:s19+$0x12CA0] =	vst v0  }
0xa4: {  	s21 =	simm.s32 @!p0 $0xC800;
	[tilespmem:s19+$0x12CB0] =	vst v1;
	s19 =	sadd.s32 @!p0 $0x4B0, s20;
	s20 =	simm.s32 @!p0 $0xC8  }
0xa5: {  	[tilespmem:s21], [sflag:$0x1] =	stream.indirect.gather @!p0 [hbm4b:s3+s20], $0x40, s19, s20, $0xb8;
	[tilespmem:$0x14C00] =	vst v63  }
0xa6: {  	_ =	swait.ge [sflag:s14], $0x3200  }
0xa7: {  	[sflag:s14] =	ssyncset.done $0x0  }
0xa8: {  	s31 =	simm.s32 $0xFA00;
	[sflag:s14] =	ssyncadd.s32 $0xFFFFCE00  }
0xa9: {  	v0 =	vld [tilespmem:s31+$0xC0]  }
0xaa: {  	v1 =	vld [tilespmem:s31+$0xD0]  }
0xab: {  	v2 =	vld [tilespmem:s31+$0x80]  }
0xac: {  	v3 =	vld [tilespmem:s31+$0x90]  }
0xad: {  	v9 =	vld [tilespmem:s31+$0x40]  }
0xae: {  	v12 =	vld [tilespmem:s31+$0x50]  }
0xaf: {  	v5 =	vld [tilespmem:s31+$0x0]  }
0xb0: {  	v7 =	vld [tilespmem:s31+$0x10]  }
0xb1: {  	v10 =	vld [tilespmem:s31+$0x20]  }
0xb2: {  	v13 =	vld [tilespmem:s31+$0x30]  }
0xb3: {  	v6 =	vld [tilespmem:s31+$0x60]  }
0xb4: {  	v8 =	vld [tilespmem:s31+$0x70]  }
0xb5: {  	v14 =	vimm.f32 $0.0e+00;
	v4 =	vld [tilespmem:s31+$0xA0]  }
0xb6: {  	v15 =	vadd.f32 v5, v14;
	v16 =	vadd.f32 v7, v14;
	v7 =	vld [tilespmem:s31+$0xB0]  }
0xb7: {  	v11 =	vadd.f32 v10, v14;
	v10 =	vadd.f32 v13, v14;
	v5 =	vld [tilespmem:s31+$0xE0]  }
0xb8: {  	s19 =	simm.s32 $0x0;
	s20 =	simm.s32 $0xFB00;
	v13 =	vadd.f32 v9, v15;
	v12 =	vadd.f32 v12, v16;
	v9 =	vld [tilespmem:s31+$0xF0]  }
.LBB2_9:
0xb9: {  	v14 =	vld [tilespmem:s20+$0xC0];
	v6 =	vadd.f32 v6, v11;
	v8 =	vadd.f32 v8, v10  }
0xba: {  	v10 =	vld [tilespmem:s20+$0xD0];
	v11 =	vadd.f32 v2, v13;
	v12 =	vadd.f32 v3, v12  }
0xbb: {  	v2 =	vld [tilespmem:s20+$0x80];
	v4 =	vadd.f32 v4, v6;
	v6 =	vadd.f32 v7, v8  }
0xbc: {  	v3 =	vld [tilespmem:s20+$0x90];
	v7 =	vadd.f32 v0, v11;
	v11 =	vadd.f32 v1, v12  }
0xbd: {  	v12 =	vld [tilespmem:s20+$0x40];
	v5 =	vadd.f32 v5, v4;
	v9 =	vadd.f32 v9, v6  }
0xbe: {  	v15 =	vld [tilespmem:s20+$0x50];
	v0 =	vmov v14  }
0xbf: {  	v13 =	vld [tilespmem:s20+$0x0];
	v1 =	vmov v10  }
0xc0: {  	v10 =	vld [tilespmem:s20+$0x10]  }
0xc1: {  	v14 =	vld [tilespmem:s20+$0x20]  }
0xc2: {  	s19 =	sadd.s32 $0x4, s19;
	v16 =	vld [tilespmem:s20+$0x30]  }
0xc3: {  	p0 =	slt.u32 s19, $0xC4;
	v6 =	vld [tilespmem:s20+$0x60]  }
.Ltmp3:
0xc4: {  	v8 =	vld [tilespmem:s20+$0x70];
	(pc) =	sbr.rel @p0 .LBB2_9-.Ltmp3, $4  }
0xc5: {  	v4 =	vld [tilespmem:s20+$0xA0]  }
0xc6: {  	v13 =	vadd.f32 v13, v7;
	v17 =	vadd.f32 v10, v11;
	v7 =	vld [tilespmem:s20+$0xB0]  }
0xc7: {  	v11 =	vadd.f32 v14, v5;
	v10 =	vadd.f32 v16, v9;
	v5 =	vld [tilespmem:s20+$0xE0]  }
0xc8: {  	v13 =	vadd.f32 v12, v13;
	v12 =	vadd.f32 v15, v17;
	v9 =	vld [tilespmem:s20+$0xF0];
	s20 =	sadd.s32 $0x100, s20  }
0xc9: {  	_ = 	snop  }
0xca: {  	v6 =	vadd.f32 v6, v11;
	v2 =	vadd.f32 v2, v13  }
0xcb: {  	v8 =	vadd.f32 v8, v10;
	v3 =	vadd.f32 v3, v12  }
0xcc: {  	v4 =	vadd.f32 v4, v6;
	v0 =	vadd.f32 v0, v2  }
0xcd: {  	s17 =	sadd.s32 $0x1, s17;
	v60 =	vadd.f32 v7, v8;
	v1 =	vadd.f32 v1, v3  }
0xce: {  	s18 =	sshll.u32 s18, $0x6;
	p0 =	sne.s32 s17, $0x20;
	v61 =	vadd.f32 v5, v4;
	v0 =	vmul.f32 $4.999999890e-03, v0  }
.Ltmp4:
0xcf: {  	s18 =	sand.u32 $0x3FFFFFC0, s18;
	v2 =	vadd.f32 v9, v60;
	v1 =	vmul.f32 $4.999999890e-03, v1;
	(pc) =	sbr.rel @p0 .LBB2_2-.Ltmp4, $4  }
0xd0: {  	v62 =	vmul.f32 $4.999999890e-03, v61;
	[tilespmem:s18+$0x12C00] =	vst v0  }
0xd1: {  	v63 =	vmul.f32 $4.999999890e-03, v2;
	[tilespmem:s18+$0x12C10] =	vst v1  }
0xd2: {  	[tilespmem:s18+$0x12C20] =	vst v62  }
0xd3: {  	[tilespmem:s18+$0x12C30] =	vst v63  }
0xd4: {  	s16 =	sadd.s32 $0x1, s16  }
0xd5: {  	p0 =	sne.s32 s16, s6  }
.Ltmp5:
0xd6: {  	_ = 	snop;
	(pc) =	sbr.rel @p0 .LBB2_1-.Ltmp5, $4  }
0xd7: {  	[hbm4b:s5+s2] =	stream.linear.scatter [tilespmem:s15], [sflag:$0x2], $0x2000, $0x38;
	[tilespmem:$0x14C00] =	vst v63  }
0xd8: {  	_ =	swait.ge [sflag:s7], $0x2000  }
0xd9: {  	[sflag:s7] =	ssyncset.done $0x0  }
0xda: {  	[sflag:s7] =	ssyncadd.s32 $0xFFFFE000  }
0xdb: {  	_ =	sfence.sel $0x180000  }
0xdc: {  	[bflag:$0x0] =	sbarrier.arrive $0xFFFF  }
0xdd: {  	p0 =	sne.s32 s0, $0x0;
	_ =	strace $0x90000047  }
0xde: {  	s0 =	sadd.s32 @!p0 $0x100000, s1;
	[bflag:$0x2] =	sbarrier.arrive $0xFFFF  }
0xdf: {  	[sflag:s0] =	ssyncadd.tile.s32 @!p0 $0x1;
	_ =	shalt  }
.Lfunc_end2:
_tile_overlayer_lowered:
.L_overlay_start_2:
0xe0: {  	(tag) =	ssettag $0x2  }
0xe1: {  	s0 =	rddreg [dreg:$0x0];
	s2 =	stileid.u32  }
0xe2: {  	s1 =	rddreg [dreg:$0x1];
	p0 =	sne.s32 s2, $0x0  }
0xe3: {  	s3 =	rddreg [dreg:$0x2];
	[bflag:$0x3] =	sbarrier.arrive $0xFFFF;
	s2 =	simm.s32 @!p0 $0x1C02  }
0xe4: {  	[timem:s3], [sflag:s2] =	dma.local @!p0 [hbm:s0], s1  }
0xe5: {  	s0 =	simm.s32 @!p0 $0x2  }
0xe6: {  	_ =	swait.ge @!p0 [sflag:s0], s1  }
0xe7: {  	s1 =	ssub.s32 @!p0 $0x0, s1;
	[sflag:s0] =	ssyncset.done @!p0 $0x0  }
0xe8: {  	[sflag:s0] =	ssyncadd.s32 @!p0 s1  }
0xe9: {  	[bflag:$0x3] =	sbarrier.arrive $0xFFFF  }
0xea: {  	_ =	shalt  }

</sc_bundles>
